<compile_context>
chip_gen: v7x
topology: tpu7x:2x2x1
jax: 0.10.2.dev20260603
libtpu: 0.0.44.dev20260713+nightly
codegen_flags: <defaults>
</compile_context>

<pallas_src>
import functools

import jax
import jax.numpy as jnp
from jax.experimental import pallas as pl
from jax.experimental.pallas import tpu as pltpu
from jax.experimental.pallas import tpu_sc as plsc

N = 5000
NPAD = 5120
BN = 512
NBN = NPAD // BN
B = 512
NBLK = NPAD // B
KMAX = 256
REG_FG_THRESH = 0.7
CLS_FG_THRESH = 0.75
CLS_BG_THRESH = 0.35
NMS_THRESH = 0.1
EPS = 1e-6

_NC, _NS = 2, 16
_NW = _NC * _NS
_BPW = NPAD // _NW


@functools.partial(
    pl.kernel,
    mesh=plsc.VectorSubcoreMesh(core_axis_name="c", subcore_axis_name="s"),
    compiler_params=pltpu.CompilerParams(use_tc_tiling_on_sc=False),
    out_type=jax.ShapeDtypeStruct((NPAD,), jnp.int32),
    scratch_types=[
        pltpu.VMEM((_BPW,), jnp.float32),
        pltpu.VMEM((_BPW,), jnp.float32),
        pltpu.VMEM((_BPW,), jnp.int32),
    ],
)
def _sc_regvalid(lab_hbm, prd_hbm, out_hbm, lab_v, prd_v, rv_v):
    wid = jax.lax.axis_index("s") * _NC + jax.lax.axis_index("c")
    base = wid * _BPW
    pltpu.sync_copy(lab_hbm.at[pl.ds(base, _BPW)], lab_v)
    pltpu.sync_copy(prd_hbm.at[pl.ds(base, _BPW)], prd_v)
    for i in range(_BPW // 16):
        p = prd_v[pl.ds(i * 16, 16)]
        l = lab_v[pl.ds(i * 16, 16)]
        sig = 1.0 / (1.0 + jnp.exp(-p))
        rv_v[pl.ds(i * 16, 16)] = jnp.where(
            (sig > REG_FG_THRESH) & (l > REG_FG_THRESH), 1, 0
        ).astype(jnp.int32)
    pltpu.sync_copy(rv_v, out_hbm.at[pl.ds(base, _BPW)])


def _lohi(a, d):
    c = a[d, :]
    e = a[3 + d, :] * 0.5
    return c - e, c + e


def _main_kernel(sb_ref, pb_ref, mo_ref, kept_ref, cnt_ref):
    kept_ref[...] = jnp.zeros((6, KMAX), jnp.float32)
    cnt_ref[0] = 0

    irow = jax.lax.broadcasted_iota(jnp.int32, (BN, BN), 0)
    jcol = jax.lax.broadcasted_iota(jnp.int32, (BN, BN), 1)
    lower = (irow < jcol).astype(jnp.float32)
    pcol = jax.lax.broadcasted_iota(jnp.int32, (BN, KMAX), 1).astype(jnp.float32)

    def block_body(t, carry):
        @pl.when(cnt_ref[0] < KMAX)
        def _():
            blk = sb_ref[:, pl.ds(t * BN, BN)]
            kb = kept_ref[...]

            bx_lo, bx_hi = _lohi(blk, 0)
            by_lo, by_hi = _lohi(blk, 1)
            kx_lo, kx_hi = _lohi(kb, 0)
            ky_lo, ky_hi = _lohi(kb, 1)
            b_area = blk[3, :] * blk[4, :]
            k_area = kb[3, :] * kb[4, :]

            ovx = jnp.clip(
                jnp.minimum(kx_hi[:, None], bx_hi[None, :])
                - jnp.maximum(kx_lo[:, None], bx_lo[None, :]), 0.0, None)
            ovy = jnp.clip(
                jnp.minimum(ky_hi[:, None], by_hi[None, :])
                - jnp.maximum(ky_lo[:, None], by_lo[None, :]), 0.0, None)
            inter = ovx * ovy
            iou_kb = inter / jnp.clip(
                k_area[:, None] + b_area[None, :] - inter, EPS, None)
            sup_kept = jnp.max((iou_kb > NMS_THRESH).astype(jnp.float32),
                               axis=0)

            gidx = t * BN + jax.lax.broadcasted_iota(jnp.int32, (1, BN), 1)[0, :]
            valid = (gidx < N).astype(jnp.float32)
            alive = valid * (1.0 - sup_kept)

            ovx_s = jnp.clip(
                jnp.minimum(bx_hi[:, None], bx_hi[None, :])
                - jnp.maximum(bx_lo[:, None], bx_lo[None, :]), 0.0, None)
            ovy_s = jnp.clip(
                jnp.minimum(by_hi[:, None], by_hi[None, :])
                - jnp.maximum(by_lo[:, None], by_lo[None, :]), 0.0, None)
            inter_s = ovx_s * ovy_s
            iou_s = inter_s / jnp.clip(
                b_area[:, None] + b_area[None, :] - inter_s, EPS, None)
            smask = (iou_s > NMS_THRESH).astype(jnp.float32) * lower

            def cond(c):
                return c[1]

            def body(c):
                keep, _ = c
                supp = jnp.max(smask * keep[:, None], axis=0)
                nk = alive * (1.0 - jnp.minimum(supp, 1.0))
                return nk, jnp.any(nk != keep)

            keep, _ = jax.lax.while_loop(cond, body,
                                         (alive, jnp.bool_(True)))

            prefix = jnp.sum(lower * keep[:, None], axis=0)
            pos = cnt_ref[0].astype(jnp.float32) + prefix
            fin = keep * (pos < KMAX).astype(jnp.float32)
            oh = (pos[:, None] == pcol).astype(jnp.float32) * fin[:, None]
            for r in range(6):
                kept_ref[r, :] += jnp.sum(oh * blk[r, :][:, None], axis=0)
            cnt_ref[0] += jnp.sum(fin).astype(jnp.int32)
        return carry

    jax.lax.fori_loop(0, NBN, block_body, 0)

    kb = kept_ref[...]
    vb = kb[3, :] * kb[4, :] * kb[5, :]
    kblo = []
    kbhi = []
    for d in range(3):
        lo, hi = _lohi(kb, d)
        kblo.append(lo[:, None])
        kbhi.append(hi[:, None])

    def assign_body(c, carry):
        pb = pb_ref[:, pl.ds(c * B, B)]
        inter = None
        for d in range(3):
            a_lo, a_hi = _lohi(pb, d)
            ov = jnp.clip(
                jnp.minimum(kbhi[d], a_hi[None, :])
                - jnp.maximum(kblo[d], a_lo[None, :]), 0.0, None)
            inter = ov if inter is None else inter * ov
        va = pb[3, :] * pb[4, :] * pb[5, :]
        iou = inter / jnp.clip(vb[:, None] + va[None, :] - inter, EPS, None)
        mo = jnp.max(iou, axis=0)
        mo = jnp.where(mo > CLS_FG_THRESH, 1.0,
                       jnp.where(mo < CLS_BG_THRESH, 0.0, mo))
        mo_ref[0, pl.ds(c * B, B)] = mo
        return carry

    jax.lax.fori_loop(0, NBLK, assign_body, 0)


def kernel(pred_boxes, gt_boxes, rcnn_cls_labels, rcnn_cls_preds):
    cols = [gt_boxes[:, i] for i in range(6)]
    sorted_all = jax.lax.sort([-rcnn_cls_labels] + cols, num_keys=1)
    sb = jnp.pad(jnp.stack(sorted_all[1:], axis=0), ((0, 0), (0, NPAD - N)))

    pb = jnp.pad(pred_boxes[:, :6], ((0, NPAD - N), (0, 0))).T

    mo = pl.pallas_call(
        _main_kernel,
        out_shape=jax.ShapeDtypeStruct((1, NPAD), jnp.float32),
        scratch_shapes=[
            pltpu.VMEM((6, KMAX), jnp.float32),
            pltpu.SMEM((1,), jnp.int32),
        ],
    )(sb, pb)

    lab = jnp.pad(rcnn_cls_labels, (0, NPAD - N))
    prd = jnp.pad(rcnn_cls_preds, (0, NPAD - N))
    rv = _sc_regvalid(lab, prd)

    max_overlaps = mo.reshape(NPAD)[:N]
    reg_valid_mask = rv[:N]
    return (reg_valid_mask, rcnn_cls_labels, max_overlaps)

# --- scband reference (transcript-rebuilt; emitter-appended) ---
"""Pipeline reference for scband-pre-loss-sampler-50070728737410 (READ-ONLY COPY).

The authoritative reference and input builder live on the scoring server;
editing this copy changes nothing except your own understanding.
"""

import jax, jax.numpy as jnp
import numpy as np

N = 5000
REG_FG_THRESH = 0.7
CLS_FG_THRESH = 0.75
CLS_BG_THRESH = 0.35
NMS_THRESH = 0.1
NMS_POST_MAXSIZE = 256


def _aligned_iou(a, b, use_z=True):
    # axis-aligned IoU translation of iou3d_nms_utils (rotation ignored)
    dims = 3 if use_z else 2
    inter = None
    for d in range(dims):
        a_lo = a[:, d] - a[:, 3 + d] * 0.5
        a_hi = a[:, d] + a[:, 3 + d] * 0.5
        b_lo = b[:, d] - b[:, 3 + d] * 0.5
        b_hi = b[:, d] + b[:, 3 + d] * 0.5
        ov = jnp.clip(jnp.minimum(a_hi[:, None], b_hi[None, :]) - jnp.maximum(a_lo[:, None], b_lo[None, :]), 0.0, None)
        inter = ov if inter is None else inter * ov
    va = jnp.prod(a[:, 3:3 + dims], axis=1)
    vb = jnp.prod(b[:, 3:3 + dims], axis=1)
    return inter / jnp.clip(va[:, None] + vb[None, :] - inter, 1e-6, None)


def _nms_mask(boxes, scores, thresh, post_max):
    n = boxes.shape[0]
    order = jnp.argsort(-scores)
    b = boxes[order]
    iou = _aligned_iou(b, b, use_z=False)
    idx = jnp.arange(n)

    def body(i, keep):
        sup = (iou[i] > thresh) & (idx > i) & keep[i]
        return keep & (~sup)

    keep = jax.lax.fori_loop(0, n, body, jnp.ones((n,), dtype=bool))
    keep = keep & (jnp.cumsum(keep.astype(jnp.int32)) <= post_max)
    return jnp.zeros((n,), dtype=bool).at[order].set(keep)


def _make_boxes(k, n):
    k1, k2, k3 = jax.random.split(k, 3)
    xy = jax.random.uniform(k1, (n, 2), minval=0.0, maxval=70.0)
    z = jax.random.uniform(k1, (n, 1), minval=-2.0, maxval=2.0)
    sizes = jax.random.uniform(k2, (n, 3), minval=1.0, maxval=5.0)
    heading = jax.random.uniform(k3, (n, 1), minval=-3.14159, maxval=3.14159)
    return jnp.concatenate([xy, z, sizes, heading], axis=1).astype(jnp.float32)


def setup_inputs(seed: int = 0):
    key = jax.random.key(seed)
    ks = jax.random.split(key, 5)
    pred_boxes = _make_boxes(ks[0], N)
    gt7 = _make_boxes(ks[1], N)
    gt_cls = jax.random.randint(ks[2], (N, 1), 1, 4).astype(jnp.float32)
    gt_boxes = jnp.concatenate([gt7, gt_cls], axis=1)
    rcnn_cls_labels = jax.random.uniform(ks[3], (N,), dtype=jnp.float32)
    rcnn_cls_preds = jax.random.normal(ks[4], (N,), dtype=jnp.float32)
    return {"pred_boxes": pred_boxes, "gt_boxes": gt_boxes, "rcnn_cls_labels": rcnn_cls_labels, "rcnn_cls_preds": rcnn_cls_preds}


def reference(pred_boxes, gt_boxes, rcnn_cls_labels, rcnn_cls_preds):
    # faithful jax port of PreLossSampler.gt_nms_sampler (single batch index)
    preds = jax.nn.sigmoid(rcnn_cls_preds)
    filtering_mask = (preds > REG_FG_THRESH) & (rcnn_cls_labels > REG_FG_THRESH)
    reg_valid_mask = filtering_mask.astype(jnp.int32)
    # NMS on gt boxes scored by rcnn_cls_labels
    sampled_inds = _nms_mask(gt_boxes[:, :7], rcnn_cls_labels, NMS_THRESH, NMS_POST_MAXSIZE)
    # zero out suppressed gt boxes
    gt_z = jnp.where(sampled_inds[:, None], gt_boxes, 0.0)
    # 3D IoU between predicted boxes and kept gt boxes
    iou3d = _aligned_iou(pred_boxes[:, :7], gt_z[:, :7], use_z=True)
    max_overlaps = jnp.max(iou3d, axis=1)
    gt_assignment = jnp.argmax(iou3d, axis=1)
    fg_mask = max_overlaps > CLS_FG_THRESH
    bg_mask = max_overlaps < CLS_BG_THRESH
    max_overlaps = jnp.where(fg_mask, 1.0, jnp.where(bg_mask, 0.0, max_overlaps))
    return (reg_valid_mask, rcnn_cls_labels, max_overlaps)

if __name__ == "__main__":
    import jax
    _d = setup_inputs()
    print(jax.jit(kernel)(*tuple(_d.values())))

</pallas_src>

<mosaic_0001>
#map = affine_map<(d0, d1) -> (0)>
module attributes {stable_mosaic.version = 14 : i64} {
  func.func @_sc_regvalid(%arg0: i32, %arg1: i32, %arg2: memref<5120xf32, #tpu.memory_space<hbm>>, %arg3: memref<5120xf32, #tpu.memory_space<hbm>>, %arg4: memref<5120xi32, #tpu.memory_space<hbm>>, %arg5: memref<160xf32, #tpu.memory_space<vmem>>, %arg6: memref<160xf32, #tpu.memory_space<vmem>>, %arg7: memref<160xi32, #tpu.memory_space<vmem>>) attributes {dimension_semantics = [#tpu.dimension_semantics<core_parallel>, #tpu.dimension_semantics<subcore_parallel>], iteration_bounds = array<i64: 2, 16>, scalar_prefetch = 0 : i64, scratch_operands = 3 : i64, tpu.core_type = #tpu.core_type<sc_vector_subcore>, window_params = [{transform_indices = #map}, {transform_indices = #map}, {transform_indices = #map}]} {
    %mul3A = arith.constant 2 : i32
    %mul3A_0 = arith.muli %arg1, %mul3A : i32
    %add3A = arith.addi %mul3A_0, %arg0 : i32
    %mul3A_1 = arith.constant 160 : i32
    %mul3A_2 = arith.muli %add3A, %mul3A_1 : i32
    "tpu.region"() ({
      %run_scoped3A = tpu.sem_alloc : memref<!tpu.dma_semaphore, #tpu.memory_space<semaphore_mem>>
      %dma_start3A = tpu.memref_slice %arg2[%mul3A_2] : memref<5120xf32, #tpu.memory_space<hbm>> -> memref<160xf32, #tpu.memory_space<hbm>>
      %dma_start3A_313 = tpu.memref_slice %arg2[%mul3A_2] : memref<5120xf32, #tpu.memory_space<hbm>> -> memref<160xf32, #tpu.memory_space<hbm>>
      tpu.enqueue_dma source(%dma_start3A_313 : memref<160xf32, #tpu.memory_space<hbm>>) target(%arg5 : memref<160xf32, #tpu.memory_space<vmem>>) target_semaphore(%run_scoped3A : memref<!tpu.dma_semaphore, #tpu.memory_space<semaphore_mem>>)
      %dma_wait3A = tpu.memref_slice %arg2[%mul3A_2] : memref<5120xf32, #tpu.memory_space<hbm>> -> memref<160xf32, #tpu.memory_space<hbm>>
      %dma_wait3A_314 = tpu.memref_slice %arg2[%mul3A_2] : memref<5120xf32, #tpu.memory_space<hbm>> -> memref<160xf32, #tpu.memory_space<hbm>>
      tpu.wait_dma2 semaphore(%run_scoped3A : memref<!tpu.dma_semaphore, #tpu.memory_space<semaphore_mem>>) src(%dma_wait3A_314 : memref<160xf32, #tpu.memory_space<hbm>>) dst(%arg5 : memref<160xf32, #tpu.memory_space<vmem>>)
      tpu.yield
    }) : () -> ()
    "tpu.region"() ({
      %run_scoped3A = tpu.sem_alloc : memref<!tpu.dma_semaphore, #tpu.memory_space<semaphore_mem>>
      %dma_start3A = tpu.memref_slice %arg3[%mul3A_2] : memref<5120xf32, #tpu.memory_space<hbm>> -> memref<160xf32, #tpu.memory_space<hbm>>
      %dma_start3A_313 = tpu.memref_slice %arg3[%mul3A_2] : memref<5120xf32, #tpu.memory_space<hbm>> -> memref<160xf32, #tpu.memory_space<hbm>>
      tpu.enqueue_dma source(%dma_start3A_313 : memref<160xf32, #tpu.memory_space<hbm>>) target(%arg6 : memref<160xf32, #tpu.memory_space<vmem>>) target_semaphore(%run_scoped3A : memref<!tpu.dma_semaphore, #tpu.memory_space<semaphore_mem>>)
      %dma_wait3A = tpu.memref_slice %arg3[%mul3A_2] : memref<5120xf32, #tpu.memory_space<hbm>> -> memref<160xf32, #tpu.memory_space<hbm>>
      %dma_wait3A_314 = tpu.memref_slice %arg3[%mul3A_2] : memref<5120xf32, #tpu.memory_space<hbm>> -> memref<160xf32, #tpu.memory_space<hbm>>
      tpu.wait_dma2 semaphore(%run_scoped3A : memref<!tpu.dma_semaphore, #tpu.memory_space<semaphore_mem>>) src(%dma_wait3A_314 : memref<160xf32, #tpu.memory_space<hbm>>) dst(%arg6 : memref<160xf32, #tpu.memory_space<vmem>>)
      tpu.yield
    }) : () -> ()
    %get3A = arith.constant 0 : index
    %get3A_3 = tpu.vector_load %arg6[%get3A] {strides = array<i32>} : memref<160xf32, #tpu.memory_space<vmem>>, vector<16xf32>,
    %get3A_4 = vector.shape_cast %get3A_3 : vector<16xf32> to vector<16xf32>
    %get3A_5 = arith.constant 0 : index
    %get3A_6 = tpu.vector_load %arg5[%get3A_5] {strides = array<i32>} : memref<160xf32, #tpu.memory_space<vmem>>, vector<16xf32>,
    %get3A_7 = vector.shape_cast %get3A_6 : vector<16xf32> to vector<16xf32>
    %neg3A = arith.constant 0.000000e+00 : f32
    %neg3A_8 = vector.broadcast %neg3A : f32 to vector<16xf32>
    %neg3A_9 = arith.subf %neg3A_8, %get3A_4 : vector<16xf32>
    %exp3A = math.exp %neg3A_9 : vector<16xf32>
    %add3A_10 = arith.constant 1.000000e+00 : f32
    %add3A_11 = vector.broadcast %add3A_10 : f32 to vector<16xf32>
    %add3A_12 = arith.addf %add3A_11, %exp3A : vector<16xf32>
    %div3A = arith.constant 1.000000e+00 : f32
    %div3A_13 = vector.broadcast %div3A : f32 to vector<16xf32>
    %div3A_14 = arith.divf %div3A_13, %add3A_12 : vector<16xf32>
    %gt3A = arith.constant 0.699999988 : f32
    %gt3A_15 = vector.broadcast %gt3A : f32 to vector<16xf32>
    %gt3A_16 = arith.cmpf ogt, %div3A_14, %gt3A_15 : vector<16xf32>
    %gt3A_17 = arith.constant 0.699999988 : f32
    %gt3A_18 = vector.broadcast %gt3A_17 : f32 to vector<16xf32>
    %gt3A_19 = arith.cmpf ogt, %get3A_7, %gt3A_18 : vector<16xf32>
    %and3A = arith.andi %gt3A_16, %gt3A_19 : vector<16xi1>
    %jit3A = arith.constant 1 : i32
    %jit3A_20 = arith.constant 0 : i32
    %broadcast_in_dim3A = vector.broadcast %jit3A : i32 to vector<16xi32>
    %broadcast_in_dim3A_21 = vector.broadcast %jit3A_20 : i32 to vector<16xi32>
    %select_n3A = arith.select %and3A, %broadcast_in_dim3A, %broadcast_in_dim3A_21 : vector<16xi1>, vector<16xi32>
    %swap3A = arith.constant 0 : index
    %swap3A_22 = tpu.vector_load %arg7[%swap3A] {strides = array<i32>} : memref<160xi32, #tpu.memory_space<vmem>>, vector<16xi32>,
    %swap3A_23 = vector.shape_cast %swap3A_22 : vector<16xi32> to vector<16xi32>
    %swap3A_24 = vector.shape_cast %select_n3A : vector<16xi32> to vector<16xi32>
    tpu.vector_store %arg7[%swap3A], %swap3A_24 {strides = array<i32>} : memref<160xi32, #tpu.memory_space<vmem>>, vector<16xi32>,
    %get3A_25 = arith.constant 16 : index
    %get3A_26 = tpu.vector_load %arg6[%get3A_25] {strides = array<i32>} : memref<160xf32, #tpu.memory_space<vmem>>, vector<16xf32>,
    %get3A_27 = vector.shape_cast %get3A_26 : vector<16xf32> to vector<16xf32>
    %get3A_28 = arith.constant 16 : index
    %get3A_29 = tpu.vector_load %arg5[%get3A_28] {strides = array<i32>} : memref<160xf32, #tpu.memory_space<vmem>>, vector<16xf32>,
    %get3A_30 = vector.shape_cast %get3A_29 : vector<16xf32> to vector<16xf32>
    %neg3A_31 = arith.constant 0.000000e+00 : f32
    %neg3A_32 = vector.broadcast %neg3A_31 : f32 to vector<16xf32>
    %neg3A_33 = arith.subf %neg3A_32, %get3A_27 : vector<16xf32>
    %exp3A_34 = math.exp %neg3A_33 : vector<16xf32>
    %add3A_35 = arith.constant 1.000000e+00 : f32
    %add3A_36 = vector.broadcast %add3A_35 : f32 to vector<16xf32>
    %add3A_37 = arith.addf %add3A_36, %exp3A_34 : vector<16xf32>
    %div3A_38 = arith.constant 1.000000e+00 : f32
    %div3A_39 = vector.broadcast %div3A_38 : f32 to vector<16xf32>
    %div3A_40 = arith.divf %div3A_39, %add3A_37 : vector<16xf32>
    %gt3A_41 = arith.constant 0.699999988 : f32
    %gt3A_42 = vector.broadcast %gt3A_41 : f32 to vector<16xf32>
    %gt3A_43 = arith.cmpf ogt, %div3A_40, %gt3A_42 : vector<16xf32>
    %gt3A_44 = arith.constant 0.699999988 : f32
    %gt3A_45 = vector.broadcast %gt3A_44 : f32 to vector<16xf32>
    %gt3A_46 = arith.cmpf ogt, %get3A_30, %gt3A_45 : vector<16xf32>
    %and3A_47 = arith.andi %gt3A_43, %gt3A_46 : vector<16xi1>
    %jit3A_48 = arith.constant 1 : i32
    %jit3A_49 = arith.constant 0 : i32
    %broadcast_in_dim3A_50 = vector.broadcast %jit3A_48 : i32 to vector<16xi32>
    %broadcast_in_dim3A_51 = vector.broadcast %jit3A_49 : i32 to vector<16xi32>
    %select_n3A_52 = arith.select %and3A_47, %broadcast_in_dim3A_50, %broadcast_in_dim3A_51 : vector<16xi1>, vector<16xi32>
    %swap3A_53 = arith.constant 16 : index
    %swap3A_54 = tpu.vector_load %arg7[%swap3A_53] {strides = array<i32>} : memref<160xi32, #tpu.memory_space<vmem>>, vector<16xi32>,
    %swap3A_55 = vector.shape_cast %swap3A_54 : vector<16xi32> to vector<16xi32>
    %swap3A_56 = vector.shape_cast %select_n3A_52 : vector<16xi32> to vector<16xi32>
    tpu.vector_store %arg7[%swap3A_53], %swap3A_56 {strides = array<i32>} : memref<160xi32, #tpu.memory_space<vmem>>, vector<16xi32>,
    %get3A_57 = arith.constant 32 : index
    %get3A_58 = tpu.vector_load %arg6[%get3A_57] {strides = array<i32>} : memref<160xf32, #tpu.memory_space<vmem>>, vector<16xf32>,
    %get3A_59 = vector.shape_cast %get3A_58 : vector<16xf32> to vector<16xf32>
    %get3A_60 = arith.constant 32 : index
    %get3A_61 = tpu.vector_load %arg5[%get3A_60] {strides = array<i32>} : memref<160xf32, #tpu.memory_space<vmem>>, vector<16xf32>,
    %get3A_62 = vector.shape_cast %get3A_61 : vector<16xf32> to vector<16xf32>
    %neg3A_63 = arith.constant 0.000000e+00 : f32
    %neg3A_64 = vector.broadcast %neg3A_63 : f32 to vector<16xf32>
    %neg3A_65 = arith.subf %neg3A_64, %get3A_59 : vector<16xf32>
    %exp3A_66 = math.exp %neg3A_65 : vector<16xf32>
    %add3A_67 = arith.constant 1.000000e+00 : f32
    %add3A_68 = vector.broadcast %add3A_67 : f32 to vector<16xf32>
    %add3A_69 = arith.addf %add3A_68, %exp3A_66 : vector<16xf32>
    %div3A_70 = arith.constant 1.000000e+00 : f32
    %div3A_71 = vector.broadcast %div3A_70 : f32 to vector<16xf32>
    %div3A_72 = arith.divf %div3A_71, %add3A_69 : vector<16xf32>
    %gt3A_73 = arith.constant 0.699999988 : f32
    %gt3A_74 = vector.broadcast %gt3A_73 : f32 to vector<16xf32>
    %gt3A_75 = arith.cmpf ogt, %div3A_72, %gt3A_74 : vector<16xf32>
    %gt3A_76 = arith.constant 0.699999988 : f32
    %gt3A_77 = vector.broadcast %gt3A_76 : f32 to vector<16xf32>
    %gt3A_78 = arith.cmpf ogt, %get3A_62, %gt3A_77 : vector<16xf32>
    %and3A_79 = arith.andi %gt3A_75, %gt3A_78 : vector<16xi1>
    %jit3A_80 = arith.constant 1 : i32
    %jit3A_81 = arith.constant 0 : i32
    %broadcast_in_dim3A_82 = vector.broadcast %jit3A_80 : i32 to vector<16xi32>
    %broadcast_in_dim3A_83 = vector.broadcast %jit3A_81 : i32 to vector<16xi32>
    %select_n3A_84 = arith.select %and3A_79, %broadcast_in_dim3A_82, %broadcast_in_dim3A_83 : vector<16xi1>, vector<16xi32>
    %swap3A_85 = arith.constant 32 : index
    %swap3A_86 = tpu.vector_load %arg7[%swap3A_85] {strides = array<i32>} : memref<160xi32, #tpu.memory_space<vmem>>, vector<16xi32>,
    %swap3A_87 = vector.shape_cast %swap3A_86 : vector<16xi32> to vector<16xi32>
    %swap3A_88 = vector.shape_cast %select_n3A_84 : vector<16xi32> to vector<16xi32>
    tpu.vector_store %arg7[%swap3A_85], %swap3A_88 {strides = array<i32>} : memref<160xi32, #tpu.memory_space<vmem>>, vector<16xi32>,
    %get3A_89 = arith.constant 48 : index
    %get3A_90 = tpu.vector_load %arg6[%get3A_89] {strides = array<i32>} : memref<160xf32, #tpu.memory_space<vmem>>, vector<16xf32>,
    %get3A_91 = vector.shape_cast %get3A_90 : vector<16xf32> to vector<16xf32>
    %get3A_92 = arith.constant 48 : index
    %get3A_93 = tpu.vector_load %arg5[%get3A_92] {strides = array<i32>} : memref<160xf32, #tpu.memory_space<vmem>>, vector<16xf32>,
    %get3A_94 = vector.shape_cast %get3A_93 : vector<16xf32> to vector<16xf32>
    %neg3A_95 = arith.constant 0.000000e+00 : f32
    %neg3A_96 = vector.broadcast %neg3A_95 : f32 to vector<16xf32>
    %neg3A_97 = arith.subf %neg3A_96, %get3A_91 : vector<16xf32>
    %exp3A_98 = math.exp %neg3A_97 : vector<16xf32>
    %add3A_99 = arith.constant 1.000000e+00 : f32
    %add3A_100 = vector.broadcast %add3A_99 : f32 to vector<16xf32>
    %add3A_101 = arith.addf %add3A_100, %exp3A_98 : vector<16xf32>
    %div3A_102 = arith.constant 1.000000e+00 : f32
    %div3A_103 = vector.broadcast %div3A_102 : f32 to vector<16xf32>
    %div3A_104 = arith.divf %div3A_103, %add3A_101 : vector<16xf32>
    %gt3A_105 = arith.constant 0.699999988 : f32
    %gt3A_106 = vector.broadcast %gt3A_105 : f32 to vector<16xf32>
    %gt3A_107 = arith.cmpf ogt, %div3A_104, %gt3A_106 : vector<16xf32>
    %gt3A_108 = arith.constant 0.699999988 : f32
    %gt3A_109 = vector.broadcast %gt3A_108 : f32 to vector<16xf32>
    %gt3A_110 = arith.cmpf ogt, %get3A_94, %gt3A_109 : vector<16xf32>
    %and3A_111 = arith.andi %gt3A_107, %gt3A_110 : vector<16xi1>
    %jit3A_112 = arith.constant 1 : i32
    %jit3A_113 = arith.constant 0 : i32
    %broadcast_in_dim3A_114 = vector.broadcast %jit3A_112 : i32 to vector<16xi32>
    %broadcast_in_dim3A_115 = vector.broadcast %jit3A_113 : i32 to vector<16xi32>
    %select_n3A_116 = arith.select %and3A_111, %broadcast_in_dim3A_114, %broadcast_in_dim3A_115 : vector<16xi1>, vector<16xi32>
    %swap3A_117 = arith.constant 48 : index
    %swap3A_118 = tpu.vector_load %arg7[%swap3A_117] {strides = array<i32>} : memref<160xi32, #tpu.memory_space<vmem>>, vector<16xi32>,
    %swap3A_119 = vector.shape_cast %swap3A_118 : vector<16xi32> to vector<16xi32>
    %swap3A_120 = vector.shape_cast %select_n3A_116 : vector<16xi32> to vector<16xi32>
    tpu.vector_store %arg7[%swap3A_117], %swap3A_120 {strides = array<i32>} : memref<160xi32, #tpu.memory_space<vmem>>, vector<16xi32>,
    %get3A_121 = arith.constant 64 : index
    %get3A_122 = tpu.vector_load %arg6[%get3A_121] {strides = array<i32>} : memref<160xf32, #tpu.memory_space<vmem>>, vector<16xf32>,
    %get3A_123 = vector.shape_cast %get3A_122 : vector<16xf32> to vector<16xf32>
    %get3A_124 = arith.constant 64 : index
    %get3A_125 = tpu.vector_load %arg5[%get3A_124] {strides = array<i32>} : memref<160xf32, #tpu.memory_space<vmem>>, vector<16xf32>,
    %get3A_126 = vector.shape_cast %get3A_125 : vector<16xf32> to vector<16xf32>
    %neg3A_127 = arith.constant 0.000000e+00 : f32
    %neg3A_128 = vector.broadcast %neg3A_127 : f32 to vector<16xf32>
    %neg3A_129 = arith.subf %neg3A_128, %get3A_123 : vector<16xf32>
    %exp3A_130 = math.exp %neg3A_129 : vector<16xf32>
    %add3A_131 = arith.constant 1.000000e+00 : f32
    %add3A_132 = vector.broadcast %add3A_131 : f32 to vector<16xf32>
    %add3A_133 = arith.addf %add3A_132, %exp3A_130 : vector<16xf32>
    %div3A_134 = arith.constant 1.000000e+00 : f32
    %div3A_135 = vector.broadcast %div3A_134 : f32 to vector<16xf32>
    %div3A_136 = arith.divf %div3A_135, %add3A_133 : vector<16xf32>
    %gt3A_137 = arith.constant 0.699999988 : f32
    %gt3A_138 = vector.broadcast %gt3A_137 : f32 to vector<16xf32>
    %gt3A_139 = arith.cmpf ogt, %div3A_136, %gt3A_138 : vector<16xf32>
    %gt3A_140 = arith.constant 0.699999988 : f32
    %gt3A_141 = vector.broadcast %gt3A_140 : f32 to vector<16xf32>
    %gt3A_142 = arith.cmpf ogt, %get3A_126, %gt3A_141 : vector<16xf32>
    %and3A_143 = arith.andi %gt3A_139, %gt3A_142 : vector<16xi1>
    %jit3A_144 = arith.constant 1 : i32
    %jit3A_145 = arith.constant 0 : i32
    %broadcast_in_dim3A_146 = vector.broadcast %jit3A_144 : i32 to vector<16xi32>
    %broadcast_in_dim3A_147 = vector.broadcast %jit3A_145 : i32 to vector<16xi32>
    %select_n3A_148 = arith.select %and3A_143, %broadcast_in_dim3A_146, %broadcast_in_dim3A_147 : vector<16xi1>, vector<16xi32>
    %swap3A_149 = arith.constant 64 : index
    %swap3A_150 = tpu.vector_load %arg7[%swap3A_149] {strides = array<i32>} : memref<160xi32, #tpu.memory_space<vmem>>, vector<16xi32>,
    %swap3A_151 = vector.shape_cast %swap3A_150 : vector<16xi32> to vector<16xi32>
    %swap3A_152 = vector.shape_cast %select_n3A_148 : vector<16xi32> to vector<16xi32>
    tpu.vector_store %arg7[%swap3A_149], %swap3A_152 {strides = array<i32>} : memref<160xi32, #tpu.memory_space<vmem>>, vector<16xi32>,
    %get3A_153 = arith.constant 80 : index
    %get3A_154 = tpu.vector_load %arg6[%get3A_153] {strides = array<i32>} : memref<160xf32, #tpu.memory_space<vmem>>, vector<16xf32>,
    %get3A_155 = vector.shape_cast %get3A_154 : vector<16xf32> to vector<16xf32>
    %get3A_156 = arith.constant 80 : index
    %get3A_157 = tpu.vector_load %arg5[%get3A_156] {strides = array<i32>} : memref<160xf32, #tpu.memory_space<vmem>>, vector<16xf32>,
    %get3A_158 = vector.shape_cast %get3A_157 : vector<16xf32> to vector<16xf32>
    %neg3A_159 = arith.constant 0.000000e+00 : f32
    %neg3A_160 = vector.broadcast %neg3A_159 : f32 to vector<16xf32>
    %neg3A_161 = arith.subf %neg3A_160, %get3A_155 : vector<16xf32>
    %exp3A_162 = math.exp %neg3A_161 : vector<16xf32>
    %add3A_163 = arith.constant 1.000000e+00 : f32
    %add3A_164 = vector.broadcast %add3A_163 : f32 to vector<16xf32>
    %add3A_165 = arith.addf %add3A_164, %exp3A_162 : vector<16xf32>
    %div3A_166 = arith.constant 1.000000e+00 : f32
    %div3A_167 = vector.broadcast %div3A_166 : f32 to vector<16xf32>
    %div3A_168 = arith.divf %div3A_167, %add3A_165 : vector<16xf32>
    %gt3A_169 = arith.constant 0.699999988 : f32
    %gt3A_170 = vector.broadcast %gt3A_169 : f32 to vector<16xf32>
    %gt3A_171 = arith.cmpf ogt, %div3A_168, %gt3A_170 : vector<16xf32>
    %gt3A_172 = arith.constant 0.699999988 : f32
    %gt3A_173 = vector.broadcast %gt3A_172 : f32 to vector<16xf32>
    %gt3A_174 = arith.cmpf ogt, %get3A_158, %gt3A_173 : vector<16xf32>
    %and3A_175 = arith.andi %gt3A_171, %gt3A_174 : vector<16xi1>
    %jit3A_176 = arith.constant 1 : i32
    %jit3A_177 = arith.constant 0 : i32
    %broadcast_in_dim3A_178 = vector.broadcast %jit3A_176 : i32 to vector<16xi32>
    %broadcast_in_dim3A_179 = vector.broadcast %jit3A_177 : i32 to vector<16xi32>
    %select_n3A_180 = arith.select %and3A_175, %broadcast_in_dim3A_178, %broadcast_in_dim3A_179 : vector<16xi1>, vector<16xi32>
    %swap3A_181 = arith.constant 80 : index
    %swap3A_182 = tpu.vector_load %arg7[%swap3A_181] {strides = array<i32>} : memref<160xi32, #tpu.memory_space<vmem>>, vector<16xi32>,
    %swap3A_183 = vector.shape_cast %swap3A_182 : vector<16xi32> to vector<16xi32>
    %swap3A_184 = vector.shape_cast %select_n3A_180 : vector<16xi32> to vector<16xi32>
    tpu.vector_store %arg7[%swap3A_181], %swap3A_184 {strides = array<i32>} : memref<160xi32, #tpu.memory_space<vmem>>, vector<16xi32>,
    %get3A_185 = arith.constant 96 : index
    %get3A_186 = tpu.vector_load %arg6[%get3A_185] {strides = array<i32>} : memref<160xf32, #tpu.memory_space<vmem>>, vector<16xf32>,
    %get3A_187 = vector.shape_cast %get3A_186 : vector<16xf32> to vector<16xf32>
    %get3A_188 = arith.constant 96 : index
    %get3A_189 = tpu.vector_load %arg5[%get3A_188] {strides = array<i32>} : memref<160xf32, #tpu.memory_space<vmem>>, vector<16xf32>,
    %get3A_190 = vector.shape_cast %get3A_189 : vector<16xf32> to vector<16xf32>
    %neg3A_191 = arith.constant 0.000000e+00 : f32
    %neg3A_192 = vector.broadcast %neg3A_191 : f32 to vector<16xf32>
    %neg3A_193 = arith.subf %neg3A_192, %get3A_187 : vector<16xf32>
    %exp3A_194 = math.exp %neg3A_193 : vector<16xf32>
    %add3A_195 = arith.constant 1.000000e+00 : f32
    %add3A_196 = vector.broadcast %add3A_195 : f32 to vector<16xf32>
    %add3A_197 = arith.addf %add3A_196, %exp3A_194 : vector<16xf32>
    %div3A_198 = arith.constant 1.000000e+00 : f32
    %div3A_199 = vector.broadcast %div3A_198 : f32 to vector<16xf32>
    %div3A_200 = arith.divf %div3A_199, %add3A_197 : vector<16xf32>
    %gt3A_201 = arith.constant 0.699999988 : f32
    %gt3A_202 = vector.broadcast %gt3A_201 : f32 to vector<16xf32>
    %gt3A_203 = arith.cmpf ogt, %div3A_200, %gt3A_202 : vector<16xf32>
    %gt3A_204 = arith.constant 0.699999988 : f32
    %gt3A_205 = vector.broadcast %gt3A_204 : f32 to vector<16xf32>
    %gt3A_206 = arith.cmpf ogt, %get3A_190, %gt3A_205 : vector<16xf32>
    %and3A_207 = arith.andi %gt3A_203, %gt3A_206 : vector<16xi1>
    %jit3A_208 = arith.constant 1 : i32
    %jit3A_209 = arith.constant 0 : i32
    %broadcast_in_dim3A_210 = vector.broadcast %jit3A_208 : i32 to vector<16xi32>
    %broadcast_in_dim3A_211 = vector.broadcast %jit3A_209 : i32 to vector<16xi32>
    %select_n3A_212 = arith.select %and3A_207, %broadcast_in_dim3A_210, %broadcast_in_dim3A_211 : vector<16xi1>, vector<16xi32>
    %swap3A_213 = arith.constant 96 : index
    %swap3A_214 = tpu.vector_load %arg7[%swap3A_213] {strides = array<i32>} : memref<160xi32, #tpu.memory_space<vmem>>, vector<16xi32>,
    %swap3A_215 = vector.shape_cast %swap3A_214 : vector<16xi32> to vector<16xi32>
    %swap3A_216 = vector.shape_cast %select_n3A_212 : vector<16xi32> to vector<16xi32>
    tpu.vector_store %arg7[%swap3A_213], %swap3A_216 {strides = array<i32>} : memref<160xi32, #tpu.memory_space<vmem>>, vector<16xi32>,
    %get3A_217 = arith.constant 112 : index
    %get3A_218 = tpu.vector_load %arg6[%get3A_217] {strides = array<i32>} : memref<160xf32, #tpu.memory_space<vmem>>, vector<16xf32>,
    %get3A_219 = vector.shape_cast %get3A_218 : vector<16xf32> to vector<16xf32>
    %get3A_220 = arith.constant 112 : index
    %get3A_221 = tpu.vector_load %arg5[%get3A_220] {strides = array<i32>} : memref<160xf32, #tpu.memory_space<vmem>>, vector<16xf32>,
    %get3A_222 = vector.shape_cast %get3A_221 : vector<16xf32> to vector<16xf32>
    %neg3A_223 = arith.constant 0.000000e+00 : f32
    %neg3A_224 = vector.broadcast %neg3A_223 : f32 to vector<16xf32>
    %neg3A_225 = arith.subf %neg3A_224, %get3A_219 : vector<16xf32>
    %exp3A_226 = math.exp %neg3A_225 : vector<16xf32>
    %add3A_227 = arith.constant 1.000000e+00 : f32
    %add3A_228 = vector.broadcast %add3A_227 : f32 to vector<16xf32>
    %add3A_229 = arith.addf %add3A_228, %exp3A_226 : vector<16xf32>
    %div3A_230 = arith.constant 1.000000e+00 : f32
    %div3A_231 = vector.broadcast %div3A_230 : f32 to vector<16xf32>
    %div3A_232 = arith.divf %div3A_231, %add3A_229 : vector<16xf32>
    %gt3A_233 = arith.constant 0.699999988 : f32
    %gt3A_234 = vector.broadcast %gt3A_233 : f32 to vector<16xf32>
    %gt3A_235 = arith.cmpf ogt, %div3A_232, %gt3A_234 : vector<16xf32>
    %gt3A_236 = arith.constant 0.699999988 : f32
    %gt3A_237 = vector.broadcast %gt3A_236 : f32 to vector<16xf32>
    %gt3A_238 = arith.cmpf ogt, %get3A_222, %gt3A_237 : vector<16xf32>
    %and3A_239 = arith.andi %gt3A_235, %gt3A_238 : vector<16xi1>
    %jit3A_240 = arith.constant 1 : i32
    %jit3A_241 = arith.constant 0 : i32
    %broadcast_in_dim3A_242 = vector.broadcast %jit3A_240 : i32 to vector<16xi32>
    %broadcast_in_dim3A_243 = vector.broadcast %jit3A_241 : i32 to vector<16xi32>
    %select_n3A_244 = arith.select %and3A_239, %broadcast_in_dim3A_242, %broadcast_in_dim3A_243 : vector<16xi1>, vector<16xi32>
    %swap3A_245 = arith.constant 112 : index
    %swap3A_246 = tpu.vector_load %arg7[%swap3A_245] {strides = array<i32>} : memref<160xi32, #tpu.memory_space<vmem>>, vector<16xi32>,
    %swap3A_247 = vector.shape_cast %swap3A_246 : vector<16xi32> to vector<16xi32>
    %swap3A_248 = vector.shape_cast %select_n3A_244 : vector<16xi32> to vector<16xi32>
    tpu.vector_store %arg7[%swap3A_245], %swap3A_248 {strides = array<i32>} : memref<160xi32, #tpu.memory_space<vmem>>, vector<16xi32>,
    %get3A_249 = arith.constant 128 : index
    %get3A_250 = tpu.vector_load %arg6[%get3A_249] {strides = array<i32>} : memref<160xf32, #tpu.memory_space<vmem>>, vector<16xf32>,
    %get3A_251 = vector.shape_cast %get3A_250 : vector<16xf32> to vector<16xf32>
    %get3A_252 = arith.constant 128 : index
    %get3A_253 = tpu.vector_load %arg5[%get3A_252] {strides = array<i32>} : memref<160xf32, #tpu.memory_space<vmem>>, vector<16xf32>,
    %get3A_254 = vector.shape_cast %get3A_253 : vector<16xf32> to vector<16xf32>
    %neg3A_255 = arith.constant 0.000000e+00 : f32
    %neg3A_256 = vector.broadcast %neg3A_255 : f32 to vector<16xf32>
    %neg3A_257 = arith.subf %neg3A_256, %get3A_251 : vector<16xf32>
    %exp3A_258 = math.exp %neg3A_257 : vector<16xf32>
    %add3A_259 = arith.constant 1.000000e+00 : f32
    %add3A_260 = vector.broadcast %add3A_259 : f32 to vector<16xf32>
    %add3A_261 = arith.addf %add3A_260, %exp3A_258 : vector<16xf32>
    %div3A_262 = arith.constant 1.000000e+00 : f32
    %div3A_263 = vector.broadcast %div3A_262 : f32 to vector<16xf32>
    %div3A_264 = arith.divf %div3A_263, %add3A_261 : vector<16xf32>
    %gt3A_265 = arith.constant 0.699999988 : f32
    %gt3A_266 = vector.broadcast %gt3A_265 : f32 to vector<16xf32>
    %gt3A_267 = arith.cmpf ogt, %div3A_264, %gt3A_266 : vector<16xf32>
    %gt3A_268 = arith.constant 0.699999988 : f32
    %gt3A_269 = vector.broadcast %gt3A_268 : f32 to vector<16xf32>
    %gt3A_270 = arith.cmpf ogt, %get3A_254, %gt3A_269 : vector<16xf32>
    %and3A_271 = arith.andi %gt3A_267, %gt3A_270 : vector<16xi1>
    %jit3A_272 = arith.constant 1 : i32
    %jit3A_273 = arith.constant 0 : i32
    %broadcast_in_dim3A_274 = vector.broadcast %jit3A_272 : i32 to vector<16xi32>
    %broadcast_in_dim3A_275 = vector.broadcast %jit3A_273 : i32 to vector<16xi32>
    %select_n3A_276 = arith.select %and3A_271, %broadcast_in_dim3A_274, %broadcast_in_dim3A_275 : vector<16xi1>, vector<16xi32>
    %swap3A_277 = arith.constant 128 : index
    %swap3A_278 = tpu.vector_load %arg7[%swap3A_277] {strides = array<i32>} : memref<160xi32, #tpu.memory_space<vmem>>, vector<16xi32>,
    %swap3A_279 = vector.shape_cast %swap3A_278 : vector<16xi32> to vector<16xi32>
    %swap3A_280 = vector.shape_cast %select_n3A_276 : vector<16xi32> to vector<16xi32>
    tpu.vector_store %arg7[%swap3A_277], %swap3A_280 {strides = array<i32>} : memref<160xi32, #tpu.memory_space<vmem>>, vector<16xi32>,
    %get3A_281 = arith.constant 144 : index
    %get3A_282 = tpu.vector_load %arg6[%get3A_281] {strides = array<i32>} : memref<160xf32, #tpu.memory_space<vmem>>, vector<16xf32>,
    %get3A_283 = vector.shape_cast %get3A_282 : vector<16xf32> to vector<16xf32>
    %get3A_284 = arith.constant 144 : index
    %get3A_285 = tpu.vector_load %arg5[%get3A_284] {strides = array<i32>} : memref<160xf32, #tpu.memory_space<vmem>>, vector<16xf32>,
    %get3A_286 = vector.shape_cast %get3A_285 : vector<16xf32> to vector<16xf32>
    %neg3A_287 = arith.constant 0.000000e+00 : f32
    %neg3A_288 = vector.broadcast %neg3A_287 : f32 to vector<16xf32>
    %neg3A_289 = arith.subf %neg3A_288, %get3A_283 : vector<16xf32>
    %exp3A_290 = math.exp %neg3A_289 : vector<16xf32>
    %add3A_291 = arith.constant 1.000000e+00 : f32
    %add3A_292 = vector.broadcast %add3A_291 : f32 to vector<16xf32>
    %add3A_293 = arith.addf %add3A_292, %exp3A_290 : vector<16xf32>
    %div3A_294 = arith.constant 1.000000e+00 : f32
    %div3A_295 = vector.broadcast %div3A_294 : f32 to vector<16xf32>
    %div3A_296 = arith.divf %div3A_295, %add3A_293 : vector<16xf32>
    %gt3A_297 = arith.constant 0.699999988 : f32
    %gt3A_298 = vector.broadcast %gt3A_297 : f32 to vector<16xf32>
    %gt3A_299 = arith.cmpf ogt, %div3A_296, %gt3A_298 : vector<16xf32>
    %gt3A_300 = arith.constant 0.699999988 : f32
    %gt3A_301 = vector.broadcast %gt3A_300 : f32 to vector<16xf32>
    %gt3A_302 = arith.cmpf ogt, %get3A_286, %gt3A_301 : vector<16xf32>
    %and3A_303 = arith.andi %gt3A_299, %gt3A_302 : vector<16xi1>
    %jit3A_304 = arith.constant 1 : i32
    %jit3A_305 = arith.constant 0 : i32
    %broadcast_in_dim3A_306 = vector.broadcast %jit3A_304 : i32 to vector<16xi32>
    %broadcast_in_dim3A_307 = vector.broadcast %jit3A_305 : i32 to vector<16xi32>
    %select_n3A_308 = arith.select %and3A_303, %broadcast_in_dim3A_306, %broadcast_in_dim3A_307 : vector<16xi1>, vector<16xi32>
    %swap3A_309 = arith.constant 144 : index
    %swap3A_310 = tpu.vector_load %arg7[%swap3A_309] {strides = array<i32>} : memref<160xi32, #tpu.memory_space<vmem>>, vector<16xi32>,
    %swap3A_311 = vector.shape_cast %swap3A_310 : vector<16xi32> to vector<16xi32>
    %swap3A_312 = vector.shape_cast %select_n3A_308 : vector<16xi32> to vector<16xi32>
    tpu.vector_store %arg7[%swap3A_309], %swap3A_312 {strides = array<i32>} : memref<160xi32, #tpu.memory_space<vmem>>, vector<16xi32>,
    "tpu.region"() ({
      %run_scoped3A = tpu.sem_alloc : memref<!tpu.dma_semaphore, #tpu.memory_space<semaphore_mem>>
      %dma_start3A = tpu.memref_slice %arg4[%mul3A_2] : memref<5120xi32, #tpu.memory_space<hbm>> -> memref<160xi32, #tpu.memory_space<hbm>>
      %dma_start3A_313 = tpu.memref_slice %arg4[%mul3A_2] : memref<5120xi32, #tpu.memory_space<hbm>> -> memref<160xi32, #tpu.memory_space<hbm>>
      tpu.enqueue_dma source(%arg7 : memref<160xi32, #tpu.memory_space<vmem>>) target(%dma_start3A_313 : memref<160xi32, #tpu.memory_space<hbm>>) target_semaphore(%run_scoped3A : memref<!tpu.dma_semaphore, #tpu.memory_space<semaphore_mem>>)
      %dma_wait3A = tpu.memref_slice %arg4[%mul3A_2] : memref<5120xi32, #tpu.memory_space<hbm>> -> memref<160xi32, #tpu.memory_space<hbm>>
      %dma_wait3A_314 = tpu.memref_slice %arg4[%mul3A_2] : memref<5120xi32, #tpu.memory_space<hbm>> -> memref<160xi32, #tpu.memory_space<hbm>>
      tpu.wait_dma2 semaphore(%run_scoped3A : memref<!tpu.dma_semaphore, #tpu.memory_space<semaphore_mem>>) src(%arg7 : memref<160xi32, #tpu.memory_space<vmem>>) dst(%dma_wait3A_314 : memref<160xi32, #tpu.memory_space<hbm>>)
      tpu.yield
    }) : () -> ()
    return
  }
}

module attributes {stable_mosaic.version = 14 : i64} {
  func.func @_main_kernel(%arg0: memref<6x5120xf32, #tpu.memory_space<vmem>>, %arg1: memref<6x5120xf32, #tpu.memory_space<vmem>>, %arg2: memref<1x5120xf32, #tpu.memory_space<vmem>>, %arg3: memref<6x256xf32, #tpu.memory_space<vmem>>, %arg4: memref<1xi32, #tpu.memory_space<smem>>) attributes {dimension_semantics = [], scalar_prefetch = 0 : i64, scratch_operands = 2 : i64, tpu.core_type = #tpu.core_type<tc>} {
    %broadcast_in_dim3A = arith.constant 0.000000e+00 : f32
    %broadcast_in_dim3A_0 = vector.broadcast %broadcast_in_dim3A : f32 to vector<6x256xf32>
    %swap3A = arith.constant 0 : index
    %swap3A_1 = arith.constant 0 : index
    %swap3A_2 = vector.load %arg3[%swap3A, %swap3A_1] : memref<6x256xf32, #tpu.memory_space<vmem>>, vector<6x256xf32>
    tpu.vector_store %arg3[%swap3A, %swap3A_1], %broadcast_in_dim3A_0 {strides = array<i32>} : memref<6x256xf32, #tpu.memory_space<vmem>>, vector<6x256xf32>,
    %swap3A_3 = arith.constant 0 : i32
    %swap3A_4 = arith.constant 0 : index
    %swap3A_5 = memref.load %arg4[%swap3A_4] : memref<1xi32, #tpu.memory_space<smem>>
    memref.store %swap3A_3, %arg4[%swap3A_4] : memref<1xi32, #tpu.memory_space<smem>>
    %iota3A = tpu.iota {dimensions = array<i32: 0>} : vector<512x512xi32>
    %iota3A_6 = tpu.iota {dimensions = array<i32: 1>} : vector<512x512xi32>
    %lt3A = arith.cmpi slt, %iota3A, %iota3A_6 : vector<512x512xi32>
    %convert_element_type3A = arith.extui %lt3A : vector<512x512xi1> to vector<512x512xi32>
    %convert_element_type3A_7 = arith.sitofp %convert_element_type3A : vector<512x512xi32> to vector<512x512xf32>
    %iota3A_8 = tpu.iota {dimensions = array<i32: 1>} : vector<512x256xi32>
    %convert_element_type3A_9 = arith.sitofp %iota3A_8 : vector<512x256xi32> to vector<512x256xf32>
    %scan3A = arith.constant 0 : i32
    %scan3A_10 = arith.constant 10 : i32
    %scan3A_11 = arith.addi %scan3A, %scan3A_10 : i32
    %scan3A_12 = arith.constant 1 : i32
    scf.for %scan3A_57 = %scan3A to %scan3A_11 step %scan3A_12  : i32 {
      %get3A_58 = arith.constant 0 : index
      %get3A_59 = memref.load %arg4[%get3A_58] : memref<1xi32, #tpu.memory_space<smem>>
      %lt3A_60 = arith.constant 256 : i32
      %lt3A_61 = arith.cmpi slt, %get3A_59, %lt3A_60 : i32
      %convert_element_type3A_62 = arith.extui %lt3A_61 : i1 to i32
      %cond3A = arith.constant 0 : i32
      %cond3A_63 = arith.cmpi ne, %convert_element_type3A_62, %cond3A : i32
      scf.if %cond3A_63 {
        %mul3A_64 = arith.constant 512 : i32
        %mul3A_65 = arith.muli %scan3A_57, %mul3A_64 : i32
        %get3A_66 = arith.constant 0 : index
        %get3A_67 = arith.index_cast %mul3A_65 : i32 to index
        %get3A_68 = vector.load %arg0[%get3A_66, %get3A_67] : memref<6x5120xf32, #tpu.memory_space<vmem>>, vector<6x512xf32>
        %get3A_69 = arith.constant 0 : index
        %get3A_70 = arith.constant 0 : index
        %get3A_71 = vector.load %arg3[%get3A_69, %get3A_70] : memref<6x256xf32, #tpu.memory_space<vmem>>, vector<6x256xf32>
        %slice3A_72 = vector.extract_strided_slice %get3A_68 {offsets = [0, 0], sizes = [1, 512], strides = [1, 1]} : vector<6x512xf32> to vector<1x512xf32>
        %squeeze3A_73 = vector.shape_cast %slice3A_72 : vector<1x512xf32> to vector<512xf32>
        %slice3A_74 = vector.extract_strided_slice %get3A_68 {offsets = [3, 0], sizes = [1, 512], strides = [1, 1]} : vector<6x512xf32> to vector<1x512xf32>
        %squeeze3A_75 = vector.shape_cast %slice3A_74 : vector<1x512xf32> to vector<512xf32>
        %mul3A_76 = arith.constant 5.000000e-01 : f32
        %mul3A_77 = vector.broadcast %mul3A_76 : f32 to vector<512xf32>
        %mul3A_78 = arith.mulf %squeeze3A_75, %mul3A_77 : vector<512xf32>
        %sub3A_79 = arith.subf %squeeze3A_73, %mul3A_78 : vector<512xf32>
        %add3A_80 = arith.addf %squeeze3A_73, %mul3A_78 : vector<512xf32>
        %slice3A_81 = vector.extract_strided_slice %get3A_68 {offsets = [1, 0], sizes = [1, 512], strides = [1, 1]} : vector<6x512xf32> to vector<1x512xf32>
        %squeeze3A_82 = vector.shape_cast %slice3A_81 : vector<1x512xf32> to vector<512xf32>
        %slice3A_83 = vector.extract_strided_slice %get3A_68 {offsets = [4, 0], sizes = [1, 512], strides = [1, 1]} : vector<6x512xf32> to vector<1x512xf32>
        %squeeze3A_84 = vector.shape_cast %slice3A_83 : vector<1x512xf32> to vector<512xf32>
        %mul3A_85 = arith.constant 5.000000e-01 : f32
        %mul3A_86 = vector.broadcast %mul3A_85 : f32 to vector<512xf32>
        %mul3A_87 = arith.mulf %squeeze3A_84, %mul3A_86 : vector<512xf32>
        %sub3A_88 = arith.subf %squeeze3A_82, %mul3A_87 : vector<512xf32>
        %add3A_89 = arith.addf %squeeze3A_82, %mul3A_87 : vector<512xf32>
        %slice3A_90 = vector.extract_strided_slice %get3A_71 {offsets = [0, 0], sizes = [1, 256], strides = [1, 1]} : vector<6x256xf32> to vector<1x256xf32>
        %squeeze3A_91 = vector.shape_cast %slice3A_90 : vector<1x256xf32> to vector<256xf32>
        %slice3A_92 = vector.extract_strided_slice %get3A_71 {offsets = [3, 0], sizes = [1, 256], strides = [1, 1]} : vector<6x256xf32> to vector<1x256xf32>
        %squeeze3A_93 = vector.shape_cast %slice3A_92 : vector<1x256xf32> to vector<256xf32>
        %mul3A_94 = arith.constant 5.000000e-01 : f32
        %mul3A_95 = vector.broadcast %mul3A_94 : f32 to vector<256xf32>
        %mul3A_96 = arith.mulf %squeeze3A_93, %mul3A_95 : vector<256xf32>
        %sub3A_97 = arith.subf %squeeze3A_91, %mul3A_96 : vector<256xf32>
        %add3A_98 = arith.addf %squeeze3A_91, %mul3A_96 : vector<256xf32>
        %slice3A_99 = vector.extract_strided_slice %get3A_71 {offsets = [1, 0], sizes = [1, 256], strides = [1, 1]} : vector<6x256xf32> to vector<1x256xf32>
        %squeeze3A_100 = vector.shape_cast %slice3A_99 : vector<1x256xf32> to vector<256xf32>
        %slice3A_101 = vector.extract_strided_slice %get3A_71 {offsets = [4, 0], sizes = [1, 256], strides = [1, 1]} : vector<6x256xf32> to vector<1x256xf32>
        %squeeze3A_102 = vector.shape_cast %slice3A_101 : vector<1x256xf32> to vector<256xf32>
        %mul3A_103 = arith.constant 5.000000e-01 : f32
        %mul3A_104 = vector.broadcast %mul3A_103 : f32 to vector<256xf32>
        %mul3A_105 = arith.mulf %squeeze3A_102, %mul3A_104 : vector<256xf32>
        %sub3A_106 = arith.subf %squeeze3A_100, %mul3A_105 : vector<256xf32>
        %add3A_107 = arith.addf %squeeze3A_100, %mul3A_105 : vector<256xf32>
        %slice3A_108 = vector.extract_strided_slice %get3A_68 {offsets = [3, 0], sizes = [1, 512], strides = [1, 1]} : vector<6x512xf32> to vector<1x512xf32>
        %squeeze3A_109 = vector.shape_cast %slice3A_108 : vector<1x512xf32> to vector<512xf32>
        %slice3A_110 = vector.extract_strided_slice %get3A_68 {offsets = [4, 0], sizes = [1, 512], strides = [1, 1]} : vector<6x512xf32> to vector<1x512xf32>
        %squeeze3A_111 = vector.shape_cast %slice3A_110 : vector<1x512xf32> to vector<512xf32>
        %mul3A_112 = arith.mulf %squeeze3A_109, %squeeze3A_111 : vector<512xf32>
        %slice3A_113 = vector.extract_strided_slice %get3A_71 {offsets = [3, 0], sizes = [1, 256], strides = [1, 1]} : vector<6x256xf32> to vector<1x256xf32>
        %squeeze3A_114 = vector.shape_cast %slice3A_113 : vector<1x256xf32> to vector<256xf32>
        %slice3A_115 = vector.extract_strided_slice %get3A_71 {offsets = [4, 0], sizes = [1, 256], strides = [1, 1]} : vector<6x256xf32> to vector<1x256xf32>
        %squeeze3A_116 = vector.shape_cast %slice3A_115 : vector<1x256xf32> to vector<256xf32>
        %mul3A_117 = arith.mulf %squeeze3A_114, %squeeze3A_116 : vector<256xf32>
        %broadcast_in_dim3A_118 = vector.shape_cast %add3A_98 : vector<256xf32> to vector<256x1xf32>
        %broadcast_in_dim3A_119 = vector.shape_cast %add3A_80 : vector<512xf32> to vector<1x512xf32>
        %min3A = vector.broadcast %broadcast_in_dim3A_118 : vector<256x1xf32> to vector<256x512xf32>
        %min3A_120 = vector.broadcast %broadcast_in_dim3A_119 : vector<1x512xf32> to vector<256x512xf32>
        %min3A_121 = arith.minimumf %min3A, %min3A_120 : vector<256x512xf32>
        %broadcast_in_dim3A_122 = vector.shape_cast %sub3A_97 : vector<256xf32> to vector<256x1xf32>
        %broadcast_in_dim3A_123 = vector.shape_cast %sub3A_79 : vector<512xf32> to vector<1x512xf32>
        %max3A = vector.broadcast %broadcast_in_dim3A_122 : vector<256x1xf32> to vector<256x512xf32>
        %max3A_124 = vector.broadcast %broadcast_in_dim3A_123 : vector<1x512xf32> to vector<256x512xf32>
        %max3A_125 = arith.maximumf %max3A, %max3A_124 : vector<256x512xf32>
        %sub3A_126 = arith.subf %min3A_121, %max3A_125 : vector<256x512xf32>
        %jit3A = arith.constant 0.000000e+00 : f32
        %max3A_127 = vector.broadcast %jit3A : f32 to vector<256x512xf32>
        %max3A_128 = arith.maximumf %max3A_127, %sub3A_126 : vector<256x512xf32>
        %broadcast_in_dim3A_129 = vector.shape_cast %add3A_107 : vector<256xf32> to vector<256x1xf32>
        %broadcast_in_dim3A_130 = vector.shape_cast %add3A_89 : vector<512xf32> to vector<1x512xf32>
        %min3A_131 = vector.broadcast %broadcast_in_dim3A_129 : vector<256x1xf32> to vector<256x512xf32>
        %min3A_132 = vector.broadcast %broadcast_in_dim3A_130 : vector<1x512xf32> to vector<256x512xf32>
        %min3A_133 = arith.minimumf %min3A_131, %min3A_132 : vector<256x512xf32>
        %broadcast_in_dim3A_134 = vector.shape_cast %sub3A_106 : vector<256xf32> to vector<256x1xf32>
        %broadcast_in_dim3A_135 = vector.shape_cast %sub3A_88 : vector<512xf32> to vector<1x512xf32>
        %max3A_136 = vector.broadcast %broadcast_in_dim3A_134 : vector<256x1xf32> to vector<256x512xf32>
        %max3A_137 = vector.broadcast %broadcast_in_dim3A_135 : vector<1x512xf32> to vector<256x512xf32>
        %max3A_138 = arith.maximumf %max3A_136, %max3A_137 : vector<256x512xf32>
        %sub3A_139 = arith.subf %min3A_133, %max3A_138 : vector<256x512xf32>
        %jit3A_140 = arith.constant 0.000000e+00 : f32
        %max3A_141 = vector.broadcast %jit3A_140 : f32 to vector<256x512xf32>
        %max3A_142 = arith.maximumf %max3A_141, %sub3A_139 : vector<256x512xf32>
        %mul3A_143 = arith.mulf %max3A_128, %max3A_142 : vector<256x512xf32>
        %broadcast_in_dim3A_144 = vector.shape_cast %mul3A_117 : vector<256xf32> to vector<256x1xf32>
        %broadcast_in_dim3A_145 = vector.shape_cast %mul3A_112 : vector<512xf32> to vector<1x512xf32>
        %add3A_146 = vector.broadcast %broadcast_in_dim3A_144 : vector<256x1xf32> to vector<256x512xf32>
        %add3A_147 = vector.broadcast %broadcast_in_dim3A_145 : vector<1x512xf32> to vector<256x512xf32>
        %add3A_148 = arith.addf %add3A_146, %add3A_147 : vector<256x512xf32>
        %sub3A_149 = arith.subf %add3A_148, %mul3A_143 : vector<256x512xf32>
        %jit3A_150 = arith.constant 9.99999997E-7 : f32
        %max3A_151 = vector.broadcast %jit3A_150 : f32 to vector<256x512xf32>
        %max3A_152 = arith.maximumf %max3A_151, %sub3A_149 : vector<256x512xf32>
        %div3A = arith.divf %mul3A_143, %max3A_152 : vector<256x512xf32>
        %gt3A = arith.constant 1.000000e-01 : f32
        %gt3A_153 = vector.broadcast %gt3A : f32 to vector<256x512xf32>
        %gt3A_154 = arith.cmpf ogt, %div3A, %gt3A_153 : vector<256x512xf32>
        %convert_element_type3A_155 = arith.extui %gt3A_154 : vector<256x512xi1> to vector<256x512xi32>
        %convert_element_type3A_156 = arith.sitofp %convert_element_type3A_155 : vector<256x512xi32> to vector<256x512xf32>
        %reduce_max3A = arith.constant dense<0xFF800000> : vector<512xf32>
        %reduce_max3A_157 = vector.multi_reduction <maximumf>, %convert_element_type3A_156, %reduce_max3A [0] : vector<256x512xf32> to vector<512xf32>
        %mul3A_158 = arith.constant 512 : i32
        %mul3A_159 = arith.muli %scan3A_57, %mul3A_158 : i32
        %iota3A_160 = tpu.iota {dimensions = array<i32: 1>} : vector<1x512xi32>
        %squeeze3A_161 = vector.shape_cast %iota3A_160 : vector<1x512xi32> to vector<512xi32>
        %add3A_162 = vector.broadcast %mul3A_159 : i32 to vector<512xi32>
        %add3A_163 = arith.addi %add3A_162, %squeeze3A_161 : vector<512xi32>
        %lt3A_164 = arith.constant 5000 : i32
        %lt3A_165 = vector.broadcast %lt3A_164 : i32 to vector<512xi32>
        %lt3A_166 = arith.cmpi slt, %add3A_163, %lt3A_165 : vector<512xi32>
        %convert_element_type3A_167 = arith.extui %lt3A_166 : vector<512xi1> to vector<512xi32>
        %convert_element_type3A_168 = arith.sitofp %convert_element_type3A_167 : vector<512xi32> to vector<512xf32>
        %sub3A_169 = arith.constant 1.000000e+00 : f32
        %sub3A_170 = vector.broadcast %sub3A_169 : f32 to vector<512xf32>
        %sub3A_171 = arith.subf %sub3A_170, %reduce_max3A_157 : vector<512xf32>
        %mul3A_172 = arith.mulf %convert_element_type3A_168, %sub3A_171 : vector<512xf32>
        %broadcast_in_dim3A_173 = vector.shape_cast %add3A_80 : vector<512xf32> to vector<512x1xf32>
        %broadcast_in_dim3A_174 = vector.shape_cast %add3A_80 : vector<512xf32> to vector<1x512xf32>
        %min3A_175 = vector.broadcast %broadcast_in_dim3A_173 : vector<512x1xf32> to vector<512x512xf32>
        %min3A_176 = vector.broadcast %broadcast_in_dim3A_174 : vector<1x512xf32> to vector<512x512xf32>
        %min3A_177 = arith.minimumf %min3A_175, %min3A_176 : vector<512x512xf32>
        %broadcast_in_dim3A_178 = vector.shape_cast %sub3A_79 : vector<512xf32> to vector<512x1xf32>
        %broadcast_in_dim3A_179 = vector.shape_cast %sub3A_79 : vector<512xf32> to vector<1x512xf32>
        %max3A_180 = vector.broadcast %broadcast_in_dim3A_178 : vector<512x1xf32> to vector<512x512xf32>
        %max3A_181 = vector.broadcast %broadcast_in_dim3A_179 : vector<1x512xf32> to vector<512x512xf32>
        %max3A_182 = arith.maximumf %max3A_180, %max3A_181 : vector<512x512xf32>
        %sub3A_183 = arith.subf %min3A_177, %max3A_182 : vector<512x512xf32>
        %jit3A_184 = arith.constant 0.000000e+00 : f32
        %max3A_185 = vector.broadcast %jit3A_184 : f32 to vector<512x512xf32>
        %max3A_186 = arith.maximumf %max3A_185, %sub3A_183 : vector<512x512xf32>
        %broadcast_in_dim3A_187 = vector.shape_cast %add3A_89 : vector<512xf32> to vector<512x1xf32>
        %broadcast_in_dim3A_188 = vector.shape_cast %add3A_89 : vector<512xf32> to vector<1x512xf32>
        %min3A_189 = vector.broadcast %broadcast_in_dim3A_187 : vector<512x1xf32> to vector<512x512xf32>
        %min3A_190 = vector.broadcast %broadcast_in_dim3A_188 : vector<1x512xf32> to vector<512x512xf32>
        %min3A_191 = arith.minimumf %min3A_189, %min3A_190 : vector<512x512xf32>
        %broadcast_in_dim3A_192 = vector.shape_cast %sub3A_88 : vector<512xf32> to vector<512x1xf32>
        %broadcast_in_dim3A_193 = vector.shape_cast %sub3A_88 : vector<512xf32> to vector<1x512xf32>
        %max3A_194 = vector.broadcast %broadcast_in_dim3A_192 : vector<512x1xf32> to vector<512x512xf32>
        %max3A_195 = vector.broadcast %broadcast_in_dim3A_193 : vector<1x512xf32> to vector<512x512xf32>
        %max3A_196 = arith.maximumf %max3A_194, %max3A_195 : vector<512x512xf32>
        %sub3A_197 = arith.subf %min3A_191, %max3A_196 : vector<512x512xf32>
        %jit3A_198 = arith.constant 0.000000e+00 : f32
        %max3A_199 = vector.broadcast %jit3A_198 : f32 to vector<512x512xf32>
        %max3A_200 = arith.maximumf %max3A_199, %sub3A_197 : vector<512x512xf32>
        %mul3A_201 = arith.mulf %max3A_186, %max3A_200 : vector<512x512xf32>
        %broadcast_in_dim3A_202 = vector.shape_cast %mul3A_112 : vector<512xf32> to vector<512x1xf32>
        %broadcast_in_dim3A_203 = vector.shape_cast %mul3A_112 : vector<512xf32> to vector<1x512xf32>
        %add3A_204 = vector.broadcast %broadcast_in_dim3A_202 : vector<512x1xf32> to vector<512x512xf32>
        %add3A_205 = vector.broadcast %broadcast_in_dim3A_203 : vector<1x512xf32> to vector<512x512xf32>
        %add3A_206 = arith.addf %add3A_204, %add3A_205 : vector<512x512xf32>
        %sub3A_207 = arith.subf %add3A_206, %mul3A_201 : vector<512x512xf32>
        %jit3A_208 = arith.constant 9.99999997E-7 : f32
        %max3A_209 = vector.broadcast %jit3A_208 : f32 to vector<512x512xf32>
        %max3A_210 = arith.maximumf %max3A_209, %sub3A_207 : vector<512x512xf32>
        %div3A_211 = arith.divf %mul3A_201, %max3A_210 : vector<512x512xf32>
        %gt3A_212 = arith.constant 1.000000e-01 : f32
        %gt3A_213 = vector.broadcast %gt3A_212 : f32 to vector<512x512xf32>
        %gt3A_214 = arith.cmpf ogt, %div3A_211, %gt3A_213 : vector<512x512xf32>
        %convert_element_type3A_215 = arith.extui %gt3A_214 : vector<512x512xi1> to vector<512x512xi32>
        %convert_element_type3A_216 = arith.sitofp %convert_element_type3A_215 : vector<512x512xi32> to vector<512x512xf32>
        %mul3A_217 = arith.mulf %convert_element_type3A_216, %convert_element_type3A_7 : vector<512x512xf32>
        %while3A = arith.constant true
        %while3A_218:2 = scf.while (%while3A_354 = %mul3A_172, %while3A_355 = %while3A) : (vector<512xf32>, i1) -> (vector<512xf32>, i1) {
          scf.condition(%while3A_355) %while3A_354, %while3A_355 : vector<512xf32>, i1
        } do {
        ^bb0(%while3A_354: vector<512xf32>, %while3A_355: i1):
          %broadcast_in_dim3A_356 = vector.shape_cast %while3A_354 : vector<512xf32> to vector<512x1xf32>
          %mul3A_357 = vector.broadcast %broadcast_in_dim3A_356 : vector<512x1xf32> to vector<512x512xf32>
          %mul3A_358 = arith.mulf %mul3A_217, %mul3A_357 : vector<512x512xf32>
          %reduce_max3A_359 = arith.constant dense<0xFF800000> : vector<512xf32>
          %reduce_max3A_360 = vector.multi_reduction <maximumf>, %mul3A_358, %reduce_max3A_359 [0] : vector<512x512xf32> to vector<512xf32>
          %min3A_361 = arith.constant 1.000000e+00 : f32
          %min3A_362 = vector.broadcast %min3A_361 : f32 to vector<512xf32>
          %min3A_363 = arith.minimumf %reduce_max3A_360, %min3A_362 : vector<512xf32>
          %sub3A_364 = arith.constant 1.000000e+00 : f32
          %sub3A_365 = vector.broadcast %sub3A_364 : f32 to vector<512xf32>
          %sub3A_366 = arith.subf %sub3A_365, %min3A_363 : vector<512xf32>
          %mul3A_367 = arith.mulf %mul3A_172, %sub3A_366 : vector<512xf32>
          %ne3A = arith.cmpf one, %mul3A_367, %while3A_354 : vector<512xf32>
          %reduce_or3A = arith.constant 1.000000e+00 : f32
          %reduce_or3A_368 = arith.constant 0.000000e+00 : f32
          %reduce_or3A_369 = vector.broadcast %reduce_or3A : f32 to vector<512xf32>
          %reduce_or3A_370 = vector.broadcast %reduce_or3A_368 : f32 to vector<512xf32>
          %reduce_or3A_371 = arith.select %ne3A, %reduce_or3A_369, %reduce_or3A_370 : vector<512xi1>, vector<512xf32>
          %reduce_or3A_372 = vector.shape_cast %reduce_or3A_371 : vector<512xf32> to vector<1x512xf32>
          %reduce_or3A_373 = arith.constant dense<0xFF800000> : vector<1xf32>
          %reduce_or3A_374 = vector.multi_reduction <maximumf>, %reduce_or3A_372, %reduce_or3A_373 [1] : vector<1x512xf32> to vector<1xf32>
          %reduce_or3A_375 = vector.shape_cast %reduce_or3A_374 : vector<1xf32> to vector<1x1xf32>
          %reduce_or3A_376 = vector.extract %reduce_or3A_375[0, 0] : f32 from vector<1x1xf32>
          %reduce_or3A_377 = arith.constant 0.000000e+00 : f32
          %reduce_or3A_378 = arith.cmpf ogt, %reduce_or3A_376, %reduce_or3A_377 : f32
          scf.yield %mul3A_367, %reduce_or3A_378 : vector<512xf32>, i1
        }
        %broadcast_in_dim3A_219 = vector.shape_cast %while3A_218#0 : vector<512xf32> to vector<512x1xf32>
        %mul3A_220 = vector.broadcast %broadcast_in_dim3A_219 : vector<512x1xf32> to vector<512x512xf32>
        %mul3A_221 = arith.mulf %convert_element_type3A_7, %mul3A_220 : vector<512x512xf32>
        %reduce_sum3A = arith.constant dense<0.000000e+00> : vector<512xf32>
        %reduce_sum3A_222 = vector.multi_reduction <add>, %mul3A_221, %reduce_sum3A [0] : vector<512x512xf32> to vector<512xf32>
        %get3A_223 = arith.constant 0 : index
        %get3A_224 = memref.load %arg4[%get3A_223] : memref<1xi32, #tpu.memory_space<smem>>
        %convert_element_type3A_225 = arith.sitofp %get3A_224 : i32 to f32
        %add3A_226 = vector.broadcast %convert_element_type3A_225 : f32 to vector<512xf32>
        %add3A_227 = arith.addf %add3A_226, %reduce_sum3A_222 : vector<512xf32>
        %lt3A_228 = arith.constant 2.560000e+02 : f32
        %lt3A_229 = vector.broadcast %lt3A_228 : f32 to vector<512xf32>
        %lt3A_230 = arith.cmpf olt, %add3A_227, %lt3A_229 : vector<512xf32>
        %convert_element_type3A_231 = arith.extui %lt3A_230 : vector<512xi1> to vector<512xi32>
        %convert_element_type3A_232 = arith.sitofp %convert_element_type3A_231 : vector<512xi32> to vector<512xf32>
        %mul3A_233 = arith.mulf %while3A_218#0, %convert_element_type3A_232 : vector<512xf32>
        %broadcast_in_dim3A_234 = vector.shape_cast %add3A_227 : vector<512xf32> to vector<512x1xf32>
        %eq3A = vector.broadcast %broadcast_in_dim3A_234 : vector<512x1xf32> to vector<512x256xf32>
        %eq3A_235 = arith.cmpf oeq, %eq3A, %convert_element_type3A_9 : vector<512x256xf32>
        %convert_element_type3A_236 = arith.extui %eq3A_235 : vector<512x256xi1> to vector<512x256xi32>
        %convert_element_type3A_237 = arith.sitofp %convert_element_type3A_236 : vector<512x256xi32> to vector<512x256xf32>
        %broadcast_in_dim3A_238 = vector.shape_cast %mul3A_233 : vector<512xf32> to vector<512x1xf32>
        %mul3A_239 = vector.broadcast %broadcast_in_dim3A_238 : vector<512x1xf32> to vector<512x256xf32>
        %mul3A_240 = arith.mulf %convert_element_type3A_237, %mul3A_239 : vector<512x256xf32>
        %get3A_241 = arith.constant 0 : index
        %get3A_242 = arith.constant 0 : index
        %get3A_243 = vector.load %arg3[%get3A_241, %get3A_242] : memref<6x256xf32, #tpu.memory_space<vmem>>, vector<1x256xf32>
        %get3A_244 = vector.shape_cast %get3A_243 : vector<1x256xf32> to vector<256xf32>
        %slice3A_245 = vector.extract_strided_slice %get3A_68 {offsets = [0, 0], sizes = [1, 512], strides = [1, 1]} : vector<6x512xf32> to vector<1x512xf32>
        %squeeze3A_246 = vector.shape_cast %slice3A_245 : vector<1x512xf32> to vector<512xf32>
        %broadcast_in_dim3A_247 = vector.shape_cast %squeeze3A_246 : vector<512xf32> to vector<512x1xf32>
        %mul3A_248 = vector.broadcast %broadcast_in_dim3A_247 : vector<512x1xf32> to vector<512x256xf32>
        %mul3A_249 = arith.mulf %mul3A_240, %mul3A_248 : vector<512x256xf32>
        %reduce_sum3A_250 = arith.constant dense<0.000000e+00> : vector<256xf32>
        %reduce_sum3A_251 = vector.multi_reduction <add>, %mul3A_249, %reduce_sum3A_250 [0] : vector<512x256xf32> to vector<256xf32>
        %add3A_252 = arith.addf %get3A_244, %reduce_sum3A_251 : vector<256xf32>
        %swap3A_253 = arith.constant 0 : index
        %swap3A_254 = arith.constant 0 : index
        %swap3A_255 = vector.load %arg3[%swap3A_253, %swap3A_254] : memref<6x256xf32, #tpu.memory_space<vmem>>, vector<1x256xf32>
        %swap3A_256 = vector.shape_cast %swap3A_255 : vector<1x256xf32> to vector<256xf32>
        %swap3A_257 = vector.shape_cast %add3A_252 : vector<256xf32> to vector<1x256xf32>
        tpu.vector_store %arg3[%swap3A_253, %swap3A_254], %swap3A_257 {strides = array<i32>} : memref<6x256xf32, #tpu.memory_space<vmem>>, vector<1x256xf32>,
        %get3A_258 = arith.constant 1 : index
        %get3A_259 = arith.constant 0 : index
        %get3A_260 = vector.load %arg3[%get3A_258, %get3A_259] : memref<6x256xf32, #tpu.memory_space<vmem>>, vector<1x256xf32>
        %get3A_261 = vector.shape_cast %get3A_260 : vector<1x256xf32> to vector<256xf32>
        %slice3A_262 = vector.extract_strided_slice %get3A_68 {offsets = [1, 0], sizes = [1, 512], strides = [1, 1]} : vector<6x512xf32> to vector<1x512xf32>
        %squeeze3A_263 = vector.shape_cast %slice3A_262 : vector<1x512xf32> to vector<512xf32>
        %broadcast_in_dim3A_264 = vector.shape_cast %squeeze3A_263 : vector<512xf32> to vector<512x1xf32>
        %mul3A_265 = vector.broadcast %broadcast_in_dim3A_264 : vector<512x1xf32> to vector<512x256xf32>
        %mul3A_266 = arith.mulf %mul3A_240, %mul3A_265 : vector<512x256xf32>
        %reduce_sum3A_267 = arith.constant dense<0.000000e+00> : vector<256xf32>
        %reduce_sum3A_268 = vector.multi_reduction <add>, %mul3A_266, %reduce_sum3A_267 [0] : vector<512x256xf32> to vector<256xf32>
        %add3A_269 = arith.addf %get3A_261, %reduce_sum3A_268 : vector<256xf32>
        %swap3A_270 = arith.constant 1 : index
        %swap3A_271 = arith.constant 0 : index
        %swap3A_272 = vector.load %arg3[%swap3A_270, %swap3A_271] : memref<6x256xf32, #tpu.memory_space<vmem>>, vector<1x256xf32>
        %swap3A_273 = vector.shape_cast %swap3A_272 : vector<1x256xf32> to vector<256xf32>
        %swap3A_274 = vector.shape_cast %add3A_269 : vector<256xf32> to vector<1x256xf32>
        tpu.vector_store %arg3[%swap3A_270, %swap3A_271], %swap3A_274 {strides = array<i32>} : memref<6x256xf32, #tpu.memory_space<vmem>>, vector<1x256xf32>,
        %get3A_275 = arith.constant 2 : index
        %get3A_276 = arith.constant 0 : index
        %get3A_277 = vector.load %arg3[%get3A_275, %get3A_276] : memref<6x256xf32, #tpu.memory_space<vmem>>, vector<1x256xf32>
        %get3A_278 = vector.shape_cast %get3A_277 : vector<1x256xf32> to vector<256xf32>
        %slice3A_279 = vector.extract_strided_slice %get3A_68 {offsets = [2, 0], sizes = [1, 512], strides = [1, 1]} : vector<6x512xf32> to vector<1x512xf32>
        %squeeze3A_280 = vector.shape_cast %slice3A_279 : vector<1x512xf32> to vector<512xf32>
        %broadcast_in_dim3A_281 = vector.shape_cast %squeeze3A_280 : vector<512xf32> to vector<512x1xf32>
        %mul3A_282 = vector.broadcast %broadcast_in_dim3A_281 : vector<512x1xf32> to vector<512x256xf32>
        %mul3A_283 = arith.mulf %mul3A_240, %mul3A_282 : vector<512x256xf32>
        %reduce_sum3A_284 = arith.constant dense<0.000000e+00> : vector<256xf32>
        %reduce_sum3A_285 = vector.multi_reduction <add>, %mul3A_283, %reduce_sum3A_284 [0] : vector<512x256xf32> to vector<256xf32>
        %add3A_286 = arith.addf %get3A_278, %reduce_sum3A_285 : vector<256xf32>
        %swap3A_287 = arith.constant 2 : index
        %swap3A_288 = arith.constant 0 : index
        %swap3A_289 = vector.load %arg3[%swap3A_287, %swap3A_288] : memref<6x256xf32, #tpu.memory_space<vmem>>, vector<1x256xf32>
        %swap3A_290 = vector.shape_cast %swap3A_289 : vector<1x256xf32> to vector<256xf32>
        %swap3A_291 = vector.shape_cast %add3A_286 : vector<256xf32> to vector<1x256xf32>
        tpu.vector_store %arg3[%swap3A_287, %swap3A_288], %swap3A_291 {strides = array<i32>} : memref<6x256xf32, #tpu.memory_space<vmem>>, vector<1x256xf32>,
        %get3A_292 = arith.constant 3 : index
        %get3A_293 = arith.constant 0 : index
        %get3A_294 = vector.load %arg3[%get3A_292, %get3A_293] : memref<6x256xf32, #tpu.memory_space<vmem>>, vector<1x256xf32>
        %get3A_295 = vector.shape_cast %get3A_294 : vector<1x256xf32> to vector<256xf32>
        %slice3A_296 = vector.extract_strided_slice %get3A_68 {offsets = [3, 0], sizes = [1, 512], strides = [1, 1]} : vector<6x512xf32> to vector<1x512xf32>
        %squeeze3A_297 = vector.shape_cast %slice3A_296 : vector<1x512xf32> to vector<512xf32>
        %broadcast_in_dim3A_298 = vector.shape_cast %squeeze3A_297 : vector<512xf32> to vector<512x1xf32>
        %mul3A_299 = vector.broadcast %broadcast_in_dim3A_298 : vector<512x1xf32> to vector<512x256xf32>
        %mul3A_300 = arith.mulf %mul3A_240, %mul3A_299 : vector<512x256xf32>
        %reduce_sum3A_301 = arith.constant dense<0.000000e+00> : vector<256xf32>
        %reduce_sum3A_302 = vector.multi_reduction <add>, %mul3A_300, %reduce_sum3A_301 [0] : vector<512x256xf32> to vector<256xf32>
        %add3A_303 = arith.addf %get3A_295, %reduce_sum3A_302 : vector<256xf32>
        %swap3A_304 = arith.constant 3 : index
        %swap3A_305 = arith.constant 0 : index
        %swap3A_306 = vector.load %arg3[%swap3A_304, %swap3A_305] : memref<6x256xf32, #tpu.memory_space<vmem>>, vector<1x256xf32>
        %swap3A_307 = vector.shape_cast %swap3A_306 : vector<1x256xf32> to vector<256xf32>
        %swap3A_308 = vector.shape_cast %add3A_303 : vector<256xf32> to vector<1x256xf32>
        tpu.vector_store %arg3[%swap3A_304, %swap3A_305], %swap3A_308 {strides = array<i32>} : memref<6x256xf32, #tpu.memory_space<vmem>>, vector<1x256xf32>,
        %get3A_309 = arith.constant 4 : index
        %get3A_310 = arith.constant 0 : index
        %get3A_311 = vector.load %arg3[%get3A_309, %get3A_310] : memref<6x256xf32, #tpu.memory_space<vmem>>, vector<1x256xf32>
        %get3A_312 = vector.shape_cast %get3A_311 : vector<1x256xf32> to vector<256xf32>
        %slice3A_313 = vector.extract_strided_slice %get3A_68 {offsets = [4, 0], sizes = [1, 512], strides = [1, 1]} : vector<6x512xf32> to vector<1x512xf32>
        %squeeze3A_314 = vector.shape_cast %slice3A_313 : vector<1x512xf32> to vector<512xf32>
        %broadcast_in_dim3A_315 = vector.shape_cast %squeeze3A_314 : vector<512xf32> to vector<512x1xf32>
        %mul3A_316 = vector.broadcast %broadcast_in_dim3A_315 : vector<512x1xf32> to vector<512x256xf32>
        %mul3A_317 = arith.mulf %mul3A_240, %mul3A_316 : vector<512x256xf32>
        %reduce_sum3A_318 = arith.constant dense<0.000000e+00> : vector<256xf32>
        %reduce_sum3A_319 = vector.multi_reduction <add>, %mul3A_317, %reduce_sum3A_318 [0] : vector<512x256xf32> to vector<256xf32>
        %add3A_320 = arith.addf %get3A_312, %reduce_sum3A_319 : vector<256xf32>
        %swap3A_321 = arith.constant 4 : index
        %swap3A_322 = arith.constant 0 : index
        %swap3A_323 = vector.load %arg3[%swap3A_321, %swap3A_322] : memref<6x256xf32, #tpu.memory_space<vmem>>, vector<1x256xf32>
        %swap3A_324 = vector.shape_cast %swap3A_323 : vector<1x256xf32> to vector<256xf32>
        %swap3A_325 = vector.shape_cast %add3A_320 : vector<256xf32> to vector<1x256xf32>
        tpu.vector_store %arg3[%swap3A_321, %swap3A_322], %swap3A_325 {strides = array<i32>} : memref<6x256xf32, #tpu.memory_space<vmem>>, vector<1x256xf32>,
        %get3A_326 = arith.constant 5 : index
        %get3A_327 = arith.constant 0 : index
        %get3A_328 = vector.load %arg3[%get3A_326, %get3A_327] : memref<6x256xf32, #tpu.memory_space<vmem>>, vector<1x256xf32>
        %get3A_329 = vector.shape_cast %get3A_328 : vector<1x256xf32> to vector<256xf32>
        %slice3A_330 = vector.extract_strided_slice %get3A_68 {offsets = [5, 0], sizes = [1, 512], strides = [1, 1]} : vector<6x512xf32> to vector<1x512xf32>
        %squeeze3A_331 = vector.shape_cast %slice3A_330 : vector<1x512xf32> to vector<512xf32>
        %broadcast_in_dim3A_332 = vector.shape_cast %squeeze3A_331 : vector<512xf32> to vector<512x1xf32>
        %mul3A_333 = vector.broadcast %broadcast_in_dim3A_332 : vector<512x1xf32> to vector<512x256xf32>
        %mul3A_334 = arith.mulf %mul3A_240, %mul3A_333 : vector<512x256xf32>
        %reduce_sum3A_335 = arith.constant dense<0.000000e+00> : vector<256xf32>
        %reduce_sum3A_336 = vector.multi_reduction <add>, %mul3A_334, %reduce_sum3A_335 [0] : vector<512x256xf32> to vector<256xf32>
        %add3A_337 = arith.addf %get3A_329, %reduce_sum3A_336 : vector<256xf32>
        %swap3A_338 = arith.constant 5 : index
        %swap3A_339 = arith.constant 0 : index
        %swap3A_340 = vector.load %arg3[%swap3A_338, %swap3A_339] : memref<6x256xf32, #tpu.memory_space<vmem>>, vector<1x256xf32>
        %swap3A_341 = vector.shape_cast %swap3A_340 : vector<1x256xf32> to vector<256xf32>
        %swap3A_342 = vector.shape_cast %add3A_337 : vector<256xf32> to vector<1x256xf32>
        tpu.vector_store %arg3[%swap3A_338, %swap3A_339], %swap3A_342 {strides = array<i32>} : memref<6x256xf32, #tpu.memory_space<vmem>>, vector<1x256xf32>,
        %get3A_343 = arith.constant 0 : index
        %get3A_344 = memref.load %arg4[%get3A_343] : memref<1xi32, #tpu.memory_space<smem>>
        %reduce_sum3A_345 = vector.shape_cast %mul3A_233 : vector<512xf32> to vector<1x512xf32>
        %reduce_sum3A_346 = arith.constant dense<0.000000e+00> : vector<1xf32>
        %reduce_sum3A_347 = vector.multi_reduction <add>, %reduce_sum3A_345, %reduce_sum3A_346 [1] : vector<1x512xf32> to vector<1xf32>
        %reduce_sum3A_348 = vector.shape_cast %reduce_sum3A_347 : vector<1xf32> to vector<1x1xf32>
        %reduce_sum3A_349 = vector.extract %reduce_sum3A_348[0, 0] : f32 from vector<1x1xf32>
        %convert_element_type3A_350 = arith.fptosi %reduce_sum3A_349 : f32 to i32
        %add3A_351 = arith.addi %get3A_344, %convert_element_type3A_350 : i32
        %swap3A_352 = arith.constant 0 : index
        %swap3A_353 = memref.load %arg4[%swap3A_352] : memref<1xi32, #tpu.memory_space<smem>>
        memref.store %add3A_351, %arg4[%swap3A_352] : memref<1xi32, #tpu.memory_space<smem>>
      } else {
      }
    }
    %scan3A_13 = arith.constant 10 : i32
    %get3A = arith.constant 0 : index
    %get3A_14 = arith.constant 0 : index
    %get3A_15 = vector.load %arg3[%get3A, %get3A_14] : memref<6x256xf32, #tpu.memory_space<vmem>>, vector<6x256xf32>
    %slice3A = vector.extract_strided_slice %get3A_15 {offsets = [3, 0], sizes = [1, 256], strides = [1, 1]} : vector<6x256xf32> to vector<1x256xf32>
    %squeeze3A = vector.shape_cast %slice3A : vector<1x256xf32> to vector<256xf32>
    %slice3A_16 = vector.extract_strided_slice %get3A_15 {offsets = [4, 0], sizes = [1, 256], strides = [1, 1]} : vector<6x256xf32> to vector<1x256xf32>
    %squeeze3A_17 = vector.shape_cast %slice3A_16 : vector<1x256xf32> to vector<256xf32>
    %mul3A = arith.mulf %squeeze3A, %squeeze3A_17 : vector<256xf32>
    %slice3A_18 = vector.extract_strided_slice %get3A_15 {offsets = [5, 0], sizes = [1, 256], strides = [1, 1]} : vector<6x256xf32> to vector<1x256xf32>
    %squeeze3A_19 = vector.shape_cast %slice3A_18 : vector<1x256xf32> to vector<256xf32>
    %mul3A_20 = arith.mulf %mul3A, %squeeze3A_19 : vector<256xf32>
    %slice3A_21 = vector.extract_strided_slice %get3A_15 {offsets = [0, 0], sizes = [1, 256], strides = [1, 1]} : vector<6x256xf32> to vector<1x256xf32>
    %squeeze3A_22 = vector.shape_cast %slice3A_21 : vector<1x256xf32> to vector<256xf32>
    %slice3A_23 = vector.extract_strided_slice %get3A_15 {offsets = [3, 0], sizes = [1, 256], strides = [1, 1]} : vector<6x256xf32> to vector<1x256xf32>
    %squeeze3A_24 = vector.shape_cast %slice3A_23 : vector<1x256xf32> to vector<256xf32>
    %mul3A_25 = arith.constant 5.000000e-01 : f32
    %mul3A_26 = vector.broadcast %mul3A_25 : f32 to vector<256xf32>
    %mul3A_27 = arith.mulf %squeeze3A_24, %mul3A_26 : vector<256xf32>
    %sub3A = arith.subf %squeeze3A_22, %mul3A_27 : vector<256xf32>
    %add3A = arith.addf %squeeze3A_22, %mul3A_27 : vector<256xf32>
    %broadcast_in_dim3A_28 = vector.shape_cast %sub3A : vector<256xf32> to vector<256x1xf32>
    %broadcast_in_dim3A_29 = vector.shape_cast %add3A : vector<256xf32> to vector<256x1xf32>
    %slice3A_30 = vector.extract_strided_slice %get3A_15 {offsets = [1, 0], sizes = [1, 256], strides = [1, 1]} : vector<6x256xf32> to vector<1x256xf32>
    %squeeze3A_31 = vector.shape_cast %slice3A_30 : vector<1x256xf32> to vector<256xf32>
    %slice3A_32 = vector.extract_strided_slice %get3A_15 {offsets = [4, 0], sizes = [1, 256], strides = [1, 1]} : vector<6x256xf32> to vector<1x256xf32>
    %squeeze3A_33 = vector.shape_cast %slice3A_32 : vector<1x256xf32> to vector<256xf32>
    %mul3A_34 = arith.constant 5.000000e-01 : f32
    %mul3A_35 = vector.broadcast %mul3A_34 : f32 to vector<256xf32>
    %mul3A_36 = arith.mulf %squeeze3A_33, %mul3A_35 : vector<256xf32>
    %sub3A_37 = arith.subf %squeeze3A_31, %mul3A_36 : vector<256xf32>
    %add3A_38 = arith.addf %squeeze3A_31, %mul3A_36 : vector<256xf32>
    %broadcast_in_dim3A_39 = vector.shape_cast %sub3A_37 : vector<256xf32> to vector<256x1xf32>
    %broadcast_in_dim3A_40 = vector.shape_cast %add3A_38 : vector<256xf32> to vector<256x1xf32>
    %slice3A_41 = vector.extract_strided_slice %get3A_15 {offsets = [2, 0], sizes = [1, 256], strides = [1, 1]} : vector<6x256xf32> to vector<1x256xf32>
    %squeeze3A_42 = vector.shape_cast %slice3A_41 : vector<1x256xf32> to vector<256xf32>
    %slice3A_43 = vector.extract_strided_slice %get3A_15 {offsets = [5, 0], sizes = [1, 256], strides = [1, 1]} : vector<6x256xf32> to vector<1x256xf32>
    %squeeze3A_44 = vector.shape_cast %slice3A_43 : vector<1x256xf32> to vector<256xf32>
    %mul3A_45 = arith.constant 5.000000e-01 : f32
    %mul3A_46 = vector.broadcast %mul3A_45 : f32 to vector<256xf32>
    %mul3A_47 = arith.mulf %squeeze3A_44, %mul3A_46 : vector<256xf32>
    %sub3A_48 = arith.subf %squeeze3A_42, %mul3A_47 : vector<256xf32>
    %add3A_49 = arith.addf %squeeze3A_42, %mul3A_47 : vector<256xf32>
    %broadcast_in_dim3A_50 = vector.shape_cast %sub3A_48 : vector<256xf32> to vector<256x1xf32>
    %broadcast_in_dim3A_51 = vector.shape_cast %add3A_49 : vector<256xf32> to vector<256x1xf32>
    %scan3A_52 = arith.constant 0 : i32
    %scan3A_53 = arith.constant 10 : i32
    %scan3A_54 = arith.addi %scan3A_52, %scan3A_53 : i32
    %scan3A_55 = arith.constant 1 : i32
    scf.for %scan3A_57 = %scan3A_52 to %scan3A_54 step %scan3A_55  : i32 {
      %mul3A_58 = arith.constant 512 : i32
      %mul3A_59 = arith.muli %scan3A_57, %mul3A_58 : i32
      %get3A_60 = arith.constant 0 : index
      %get3A_61 = arith.index_cast %mul3A_59 : i32 to index
      %get3A_62 = vector.load %arg1[%get3A_60, %get3A_61] : memref<6x5120xf32, #tpu.memory_space<vmem>>, vector<6x512xf32>
      %slice3A_63 = vector.extract_strided_slice %get3A_62 {offsets = [0, 0], sizes = [1, 512], strides = [1, 1]} : vector<6x512xf32> to vector<1x512xf32>
      %squeeze3A_64 = vector.shape_cast %slice3A_63 : vector<1x512xf32> to vector<512xf32>
      %slice3A_65 = vector.extract_strided_slice %get3A_62 {offsets = [3, 0], sizes = [1, 512], strides = [1, 1]} : vector<6x512xf32> to vector<1x512xf32>
      %squeeze3A_66 = vector.shape_cast %slice3A_65 : vector<1x512xf32> to vector<512xf32>
      %mul3A_67 = arith.constant 5.000000e-01 : f32
      %mul3A_68 = vector.broadcast %mul3A_67 : f32 to vector<512xf32>
      %mul3A_69 = arith.mulf %squeeze3A_66, %mul3A_68 : vector<512xf32>
      %sub3A_70 = arith.subf %squeeze3A_64, %mul3A_69 : vector<512xf32>
      %add3A_71 = arith.addf %squeeze3A_64, %mul3A_69 : vector<512xf32>
      %broadcast_in_dim3A_72 = vector.shape_cast %add3A_71 : vector<512xf32> to vector<1x512xf32>
      %min3A = vector.broadcast %broadcast_in_dim3A_29 : vector<256x1xf32> to vector<256x512xf32>
      %min3A_73 = vector.broadcast %broadcast_in_dim3A_72 : vector<1x512xf32> to vector<256x512xf32>
      %min3A_74 = arith.minimumf %min3A, %min3A_73 : vector<256x512xf32>
      %broadcast_in_dim3A_75 = vector.shape_cast %sub3A_70 : vector<512xf32> to vector<1x512xf32>
      %max3A = vector.broadcast %broadcast_in_dim3A_28 : vector<256x1xf32> to vector<256x512xf32>
      %max3A_76 = vector.broadcast %broadcast_in_dim3A_75 : vector<1x512xf32> to vector<256x512xf32>
      %max3A_77 = arith.maximumf %max3A, %max3A_76 : vector<256x512xf32>
      %sub3A_78 = arith.subf %min3A_74, %max3A_77 : vector<256x512xf32>
      %jit3A = arith.constant 0.000000e+00 : f32
      %max3A_79 = vector.broadcast %jit3A : f32 to vector<256x512xf32>
      %max3A_80 = arith.maximumf %max3A_79, %sub3A_78 : vector<256x512xf32>
      %slice3A_81 = vector.extract_strided_slice %get3A_62 {offsets = [1, 0], sizes = [1, 512], strides = [1, 1]} : vector<6x512xf32> to vector<1x512xf32>
      %squeeze3A_82 = vector.shape_cast %slice3A_81 : vector<1x512xf32> to vector<512xf32>
      %slice3A_83 = vector.extract_strided_slice %get3A_62 {offsets = [4, 0], sizes = [1, 512], strides = [1, 1]} : vector<6x512xf32> to vector<1x512xf32>
      %squeeze3A_84 = vector.shape_cast %slice3A_83 : vector<1x512xf32> to vector<512xf32>
      %mul3A_85 = arith.constant 5.000000e-01 : f32
      %mul3A_86 = vector.broadcast %mul3A_85 : f32 to vector<512xf32>
      %mul3A_87 = arith.mulf %squeeze3A_84, %mul3A_86 : vector<512xf32>
      %sub3A_88 = arith.subf %squeeze3A_82, %mul3A_87 : vector<512xf32>
      %add3A_89 = arith.addf %squeeze3A_82, %mul3A_87 : vector<512xf32>
      %broadcast_in_dim3A_90 = vector.shape_cast %add3A_89 : vector<512xf32> to vector<1x512xf32>
      %min3A_91 = vector.broadcast %broadcast_in_dim3A_40 : vector<256x1xf32> to vector<256x512xf32>
      %min3A_92 = vector.broadcast %broadcast_in_dim3A_90 : vector<1x512xf32> to vector<256x512xf32>
      %min3A_93 = arith.minimumf %min3A_91, %min3A_92 : vector<256x512xf32>
      %broadcast_in_dim3A_94 = vector.shape_cast %sub3A_88 : vector<512xf32> to vector<1x512xf32>
      %max3A_95 = vector.broadcast %broadcast_in_dim3A_39 : vector<256x1xf32> to vector<256x512xf32>
      %max3A_96 = vector.broadcast %broadcast_in_dim3A_94 : vector<1x512xf32> to vector<256x512xf32>
      %max3A_97 = arith.maximumf %max3A_95, %max3A_96 : vector<256x512xf32>
      %sub3A_98 = arith.subf %min3A_93, %max3A_97 : vector<256x512xf32>
      %jit3A_99 = arith.constant 0.000000e+00 : f32
      %max3A_100 = vector.broadcast %jit3A_99 : f32 to vector<256x512xf32>
      %max3A_101 = arith.maximumf %max3A_100, %sub3A_98 : vector<256x512xf32>
      %mul3A_102 = arith.mulf %max3A_80, %max3A_101 : vector<256x512xf32>
      %slice3A_103 = vector.extract_strided_slice %get3A_62 {offsets = [2, 0], sizes = [1, 512], strides = [1, 1]} : vector<6x512xf32> to vector<1x512xf32>
      %squeeze3A_104 = vector.shape_cast %slice3A_103 : vector<1x512xf32> to vector<512xf32>
      %slice3A_105 = vector.extract_strided_slice %get3A_62 {offsets = [5, 0], sizes = [1, 512], strides = [1, 1]} : vector<6x512xf32> to vector<1x512xf32>
      %squeeze3A_106 = vector.shape_cast %slice3A_105 : vector<1x512xf32> to vector<512xf32>
      %mul3A_107 = arith.constant 5.000000e-01 : f32
      %mul3A_108 = vector.broadcast %mul3A_107 : f32 to vector<512xf32>
      %mul3A_109 = arith.mulf %squeeze3A_106, %mul3A_108 : vector<512xf32>
      %sub3A_110 = arith.subf %squeeze3A_104, %mul3A_109 : vector<512xf32>
      %add3A_111 = arith.addf %squeeze3A_104, %mul3A_109 : vector<512xf32>
      %broadcast_in_dim3A_112 = vector.shape_cast %add3A_111 : vector<512xf32> to vector<1x512xf32>
      %min3A_113 = vector.broadcast %broadcast_in_dim3A_51 : vector<256x1xf32> to vector<256x512xf32>
      %min3A_114 = vector.broadcast %broadcast_in_dim3A_112 : vector<1x512xf32> to vector<256x512xf32>
      %min3A_115 = arith.minimumf %min3A_113, %min3A_114 : vector<256x512xf32>
      %broadcast_in_dim3A_116 = vector.shape_cast %sub3A_110 : vector<512xf32> to vector<1x512xf32>
      %max3A_117 = vector.broadcast %broadcast_in_dim3A_50 : vector<256x1xf32> to vector<256x512xf32>
      %max3A_118 = vector.broadcast %broadcast_in_dim3A_116 : vector<1x512xf32> to vector<256x512xf32>
      %max3A_119 = arith.maximumf %max3A_117, %max3A_118 : vector<256x512xf32>
      %sub3A_120 = arith.subf %min3A_115, %max3A_119 : vector<256x512xf32>
      %jit3A_121 = arith.constant 0.000000e+00 : f32
      %max3A_122 = vector.broadcast %jit3A_121 : f32 to vector<256x512xf32>
      %max3A_123 = arith.maximumf %max3A_122, %sub3A_120 : vector<256x512xf32>
      %mul3A_124 = arith.mulf %mul3A_102, %max3A_123 : vector<256x512xf32>
      %slice3A_125 = vector.extract_strided_slice %get3A_62 {offsets = [3, 0], sizes = [1, 512], strides = [1, 1]} : vector<6x512xf32> to vector<1x512xf32>
      %squeeze3A_126 = vector.shape_cast %slice3A_125 : vector<1x512xf32> to vector<512xf32>
      %slice3A_127 = vector.extract_strided_slice %get3A_62 {offsets = [4, 0], sizes = [1, 512], strides = [1, 1]} : vector<6x512xf32> to vector<1x512xf32>
      %squeeze3A_128 = vector.shape_cast %slice3A_127 : vector<1x512xf32> to vector<512xf32>
      %mul3A_129 = arith.mulf %squeeze3A_126, %squeeze3A_128 : vector<512xf32>
      %slice3A_130 = vector.extract_strided_slice %get3A_62 {offsets = [5, 0], sizes = [1, 512], strides = [1, 1]} : vector<6x512xf32> to vector<1x512xf32>
      %squeeze3A_131 = vector.shape_cast %slice3A_130 : vector<1x512xf32> to vector<512xf32>
      %mul3A_132 = arith.mulf %mul3A_129, %squeeze3A_131 : vector<512xf32>
      %broadcast_in_dim3A_133 = vector.shape_cast %mul3A_20 : vector<256xf32> to vector<256x1xf32>
      %broadcast_in_dim3A_134 = vector.shape_cast %mul3A_132 : vector<512xf32> to vector<1x512xf32>
      %add3A_135 = vector.broadcast %broadcast_in_dim3A_133 : vector<256x1xf32> to vector<256x512xf32>
      %add3A_136 = vector.broadcast %broadcast_in_dim3A_134 : vector<1x512xf32> to vector<256x512xf32>
      %add3A_137 = arith.addf %add3A_135, %add3A_136 : vector<256x512xf32>
      %sub3A_138 = arith.subf %add3A_137, %mul3A_124 : vector<256x512xf32>
      %jit3A_139 = arith.constant 9.99999997E-7 : f32
      %max3A_140 = vector.broadcast %jit3A_139 : f32 to vector<256x512xf32>
      %max3A_141 = arith.maximumf %max3A_140, %sub3A_138 : vector<256x512xf32>
      %div3A = arith.divf %mul3A_124, %max3A_141 : vector<256x512xf32>
      %reduce_max3A = arith.constant dense<0xFF800000> : vector<512xf32>
      %reduce_max3A_142 = vector.multi_reduction <maximumf>, %div3A, %reduce_max3A [0] : vector<256x512xf32> to vector<512xf32>
      %gt3A = arith.constant 7.500000e-01 : f32
      %gt3A_143 = vector.broadcast %gt3A : f32 to vector<512xf32>
      %gt3A_144 = arith.cmpf ogt, %reduce_max3A_142, %gt3A_143 : vector<512xf32>
      %lt3A_145 = arith.constant 3.500000e-01 : f32
      %lt3A_146 = vector.broadcast %lt3A_145 : f32 to vector<512xf32>
      %lt3A_147 = arith.cmpf olt, %reduce_max3A_142, %lt3A_146 : vector<512xf32>
      %jit3A_148 = arith.constant 0.000000e+00 : f32
      %broadcast_in_dim3A_149 = vector.broadcast %jit3A_148 : f32 to vector<512xf32>
      %select_n3A = arith.select %lt3A_147, %broadcast_in_dim3A_149, %reduce_max3A_142 : vector<512xi1>, vector<512xf32>
      %jit3A_150 = arith.constant 1.000000e+00 : f32
      %broadcast_in_dim3A_151 = vector.broadcast %jit3A_150 : f32 to vector<512xf32>
      %select_n3A_152 = arith.select %gt3A_144, %broadcast_in_dim3A_151, %select_n3A : vector<512xi1>, vector<512xf32>
      %mul3A_153 = arith.constant 512 : i32
      %mul3A_154 = arith.muli %scan3A_57, %mul3A_153 : i32
      %swap3A_155 = arith.constant 0 : index
      %swap3A_156 = arith.index_cast %mul3A_154 : i32 to index
      %swap3A_157 = vector.load %arg2[%swap3A_155, %swap3A_156] : memref<1x5120xf32, #tpu.memory_space<vmem>>, vector<1x512xf32>
      %swap3A_158 = vector.shape_cast %swap3A_157 : vector<1x512xf32> to vector<512xf32>
      %swap3A_159 = vector.shape_cast %select_n3A_152 : vector<512xf32> to vector<1x512xf32>
      tpu.vector_store %arg2[%swap3A_155, %swap3A_156], %swap3A_159 {strides = array<i32>} : memref<1x5120xf32, #tpu.memory_space<vmem>>, vector<1x512xf32>,
    }
    %scan3A_56 = arith.constant 10 : i32
    return
  }
}

</mosaic_0001>

<sc_bundles>
// kernel: kernel.4.cloned.1.call-start
scs
__scs_entry_jumppad:
0x0: {  	(pc) =	sbr.rel $0x88, $3  }
0x1: {  	(tag) =	ssettag $0x0;
	lr =	simm.s32 $0x1  }
0x2: {  	[smem:$0x3F9D] =	sst lr;
	_ =	strace $0xD0000000  }
0x3: {  	_ = 	snop  }
0x4: {  	_ = 	snop  }
0x5: {  	_ = 	snop  }
0x6: {  	_ = 	snop  }
0x7: {  	_ = 	snop  }
__scs_overlays_trampoline_lowered:
0x8: {  	[smem:$0x3FAC] =	sst s0  }
0x9: {  	[smem:$0x3FAD] =	sst s1  }
0xa: {  	[smem:$0x3FAE] =	sst s2  }
0xb: {  	[smem:$0x3FAF] =	sst s3  }
0xc: {  	[smem:$0x3FB0] =	sst s4  }
0xd: {  	[smem:$0x3FB1] =	sst s5  }
0xe: {  	[smem:$0x3FB2] =	sst s6  }
0xf: {  	[smem:$0x3FB3] =	sst s7  }
0x10: {  	[smem:$0x3FB4] =	sst s8  }
0x11: {  	[smem:$0x3FB5] =	sst s9;
	s0 =	simm.s32 @!p0 $0x0  }
0x12: {  	s1 =	sld [smem:$0x3F9B];
	s0 =	simm.s32 @p0 $0x1  }
0x13: {  	[smem:$0x3FB6] =	sst s0;
	s0 =	simm.s32 @!p1 $0x0  }
0x14: {  	s2 =	sld [smem:$0x3F9A];
	s0 =	simm.s32 @p1 $0x1  }
0x15: {  	[smem:$0x3FB7] =	sst s0;
	s0 =	simm.s32 @!p2 $0x0  }
0x16: {  	s3 =	sld [smem:$0x3FDB];
	s0 =	simm.s32 @p2 $0x1  }
0x17: {  	s4 =	simm.s32 $0x1BF5;
	[smem:$0x3FB9] =	sst s0  }
0x18: {  	s0 =	sld [smem:$0x3F9C];
	_ =	swait.ge [sflag:s4], $0x0  }
0x19: {  	s7 =	sld [smem:$0x3F9D]  }
0x1a: {  	s8 =	sadd.s32 $0xFFFFE003, lr  }
0x1b: {  	s9 =	sadd.s32 $0xFFFFFEF7, lr;
	s5 =	simm.s32 $0xFFFFFFFF;
	p2 =	slt.u32 s8, $0xFFFFF086  }
0x1c: {  	p1 =	slt.u32 s9, $0xF7A;
	s5 =	simm.s32 @!p2 $0x0  }
0x1d: {  	s5 =	simm.s32 @p1 $0x1;
	p0 =	seq.s32 s7, s2  }
0x1e: {  	s7 =	smul.u32 @!p0 $0xF7A, s2;
	p2 =	seq.s32 @!p0 s5, $0x0  }
0x1f: {  	s9 =	smul.u32 $0xF7A, s1;
	s8 =	simm.s32 @!p0 $0x1BF5;
	p2 =	por !p2, p0  }
0x20: {  	[sflag:s8] =	ssyncset.s32 @!p0 $0xFFFFF086;
	s6 =	sadd.s32 @!p0 s3, s7;
	s7 =	simm.s32 @!p0 $0x108  }
0x21: {  	s3 =	sadd.s32 s3, s9;
	s6 =	sadd.s32 @!p0 $0x88, s6;
	s7 =	simm.s32 @p2 $0x1082  }
0x22: {  	[simem:s7], [sflag:s8] =	dma.local @!p0 [hbm:s6], $0xF7A  }
0x23: {  	s9 =	sor.u32 $0xD0000000, s2;
	s6 =	simm.s32 $0x108;
	_ =	swait.ge @!p0 [sflag:s8], $0x0  }
0x24: {  	s3 =	sadd.s32 $0x88, s3;
	s6 =	simm.s32 @!p1 $0x1082;
	[sflag:s4] =	ssyncset.s32 $0xFFFFF086  }
0x25: {  	[simem:s6], [sflag:s4] =	dma.local [hbm:s3], $0xF7A  }
0x26: {  	[smem:$0x3F9D] =	sst s1;
	(tag) =	ssettag s2;
	_ =	strace s9  }
0x27: {  	s1 =	sld [smem:$0x3FAD]  }
0x28: {  	s2 =	sld [smem:$0x3FAE]  }
0x29: {  	s4 =	sld [smem:$0x3FB0]  }
0x2a: {  	p0 =	seq.s32 s5, $0x0;
	s5 =	sld [smem:$0x3FB1]  }
0x2b: {  	s6 =	sld [smem:$0x3FB2]  }
0x2c: {  	s7 =	sld [smem:$0x3FB3]  }
0x2d: {  	s3 =	simm.s32 $0x108;
	s8 =	sld [smem:$0x3FB4]  }
0x2e: {  	s3 =	simm.s32 @!p0 $0x1082;
	s9 =	sld [smem:$0x3FB5]  }
0x2f: {  	lr =	sadd.s32 s0, s3;
	s0 =	sld [smem:$0x3FAC]  }
0x30: {  	s3 =	sld [smem:$0x3FAF]  }
0x31: {  	[smem:$0x3FB8] =	sst s10  }
0x32: {  	s10 =	sld [smem:$0x3FB6];
	_ =	sdelay $0x3  }
0x33: {  	p0 =	seq.s32 s10, $0x1;
	s10 =	sld [smem:$0x3FB8];
	_ =	sdelay $0x3  }
0x34: {  	[smem:$0x3FB8] =	sst s10  }
0x35: {  	s10 =	sld [smem:$0x3FB7];
	_ =	sdelay $0x3  }
0x36: {  	p1 =	seq.s32 s10, $0x1;
	s10 =	sld [smem:$0x3FB8];
	_ =	sdelay $0x3  }
0x37: {  	[smem:$0x3FB8] =	sst s10  }
0x38: {  	s10 =	sld [smem:$0x3FB9]  }
0x39: {  	_ = 	snop;
	(pc) =	sbr.ind lr, $3  }
0x3a: {  	_ = 	snop  }
0x3b: {  	_ = 	snop  }
0x3c: {  	p2 =	seq.s32 s10, $0x1;
	s10 =	sld [smem:$0x3FB8]  }
0x3d: {  	_ =	shalt  }
0x3e: {  	_ =	shalt  }
0x3f: {  	_ =	shalt  }
0x40: {  	_ =	shalt  }
0x41: {  	_ =	shalt  }
0x42: {  	_ =	shalt  }
0x43: {  	_ =	shalt  }
0x44: {  	_ =	shalt  }
0x45: {  	_ =	shalt  }
0x46: {  	_ =	shalt  }
0x47: {  	_ =	shalt  }
0x48: {  	_ =	shalt  }
0x49: {  	_ =	shalt  }
0x4a: {  	_ =	shalt  }
0x4b: {  	_ =	shalt  }
0x4c: {  	_ =	shalt  }
0x4d: {  	_ =	shalt  }
0x4e: {  	_ =	shalt  }
0x4f: {  	_ =	shalt  }
0x50: {  	_ =	shalt  }
0x51: {  	_ =	shalt  }
0x52: {  	_ =	shalt  }
0x53: {  	_ =	shalt  }
0x54: {  	_ =	shalt  }
0x55: {  	_ =	shalt  }
0x56: {  	_ =	shalt  }
0x57: {  	_ =	shalt  }
0x58: {  	_ =	shalt  }
0x59: {  	_ =	shalt  }
0x5a: {  	_ =	shalt  }
0x5b: {  	_ =	shalt  }
0x5c: {  	_ =	shalt  }
0x5d: {  	_ =	shalt  }
0x5e: {  	_ =	shalt  }
0x5f: {  	_ =	shalt  }
0x60: {  	_ =	shalt  }
0x61: {  	_ =	shalt  }
0x62: {  	_ =	shalt  }
0x63: {  	_ =	shalt  }
0x64: {  	_ =	shalt  }
0x65: {  	_ =	shalt  }
0x66: {  	_ =	shalt  }
0x67: {  	_ =	shalt  }
0x68: {  	_ =	shalt  }
0x69: {  	_ =	shalt  }
0x6a: {  	_ =	shalt  }
0x6b: {  	_ =	shalt  }
0x6c: {  	_ =	shalt  }
0x6d: {  	_ =	shalt  }
0x6e: {  	_ =	shalt  }
0x6f: {  	_ =	shalt  }
0x70: {  	_ =	shalt  }
0x71: {  	_ =	shalt  }
0x72: {  	_ =	shalt  }
0x73: {  	_ =	shalt  }
0x74: {  	_ =	shalt  }
0x75: {  	_ =	shalt  }
0x76: {  	_ =	shalt  }
0x77: {  	_ =	shalt  }
0x78: {  	_ =	shalt  }
0x79: {  	_ =	shalt  }
0x7a: {  	_ =	shalt  }
0x7b: {  	_ =	shalt  }
0x7c: {  	_ =	shalt  }
0x7d: {  	_ =	shalt  }
0x7e: {  	_ =	shalt  }
0x7f: {  	_ =	shalt  }
0x80: {  	_ =	shalt  }
0x81: {  	_ =	shalt  }
0x82: {  	_ =	shalt  }
0x83: {  	_ =	shalt  }
0x84: {  	_ =	shalt  }
0x85: {  	_ =	shalt  }
0x86: {  	_ =	shalt  }
0x87: {  	_ =	shalt  }
.Lfunc_end0:
.L_simem_size_0:
called_computation_lowered:
.L_overlay_start_0:
0x88: {  	s2 =	sld [smem:$0x3FD9]  }
0x89: {  	s3 =	sld [smem:$0x3FFE];
	_ =	sdelay $0x1  }
0x8a: {  	s1 =	srdreg.scid  }
0x8b: {  	s0 =	sand.u32 $0x1, s1  }
0x8c: {  	s14 =	sshll.u32 s0, $0xA;
	s2 =	sadd.s32 s3, s2  }
0x8d: {  	s2 =	sadd.s32 s2, s14  }
0x8e: {  	[smem:$0x3FC4] =	sst s2  }
0x8f: {  	_ = 	snop  }
0x90: {  	s2 =	sld [smem:$0x3FD0];
	_ =	sdelay $0x2  }
0x91: {  	s15 =	simm.s32 $0xA;
	s4 =	simm.s32 $0x10  }
0x92: {  	[smem:s4], [sflag:s15] =	dma.local [hbm:s2], $0x1  }
0x93: {  	_ =	swait.eq [sflag:s15], $0x1  }
0x94: {  	[sflag:s15] =	ssyncset.done $0x0  }
0x95: {  	s16 =	sld [smem:$0x10];
	[sflag:s15] =	ssyncadd.s32 $0xFFFFFFFF  }
0x96: {  	s17 =	sld [smem:$0x11];
	(tm) =	ssettm $0x1  }
0x97: {  	s18 =	sld [smem:$0x3FFB];
	_ =	sdelay $0x3  }
0x98: {  	_ =	strace s18  }
0x99: {  	s4 =	sld [smem:$0x3FFC];
	_ =	sdelay $0x3  }
0x9a: {  	_ =	strace s4  }
0x9b: {  	s4 =	sld [smem:$0x3FFD];
	_ =	sdelay $0x3  }
0x9c: {  	_ =	strace s4  }
0x9d: {  	_ =	strace $0x8FFFFFFF  }
0x9e: {  	s19 =	sld [smem:$0x3FDB];
	_ =	sdelay $0x1  }
0x9f: {  	s5 =	simm.s32 $_scs_section_size  }
0xa0: {  	s6 =	simm.s32 $_size__tile_overlayer_lowered;
	s7 =	simm.s32 $_tile_overlayer_lowered  }
0xa1: {  	s22 =	simm.s32 $0x1BFF;
	s21 =	sshll.u32 s7, $0x1;
	s4 =	sadd.s32 s5, s19  }
0xa2: {  	s8 =	simm.s32 $0x0;
	s20 =	sshll.u32 s6, $0x1;
	s6 =	sadd.s32 s21, s4  }
0xa3: {  	[timem:s8], [sflag:s22] =	dma.local [hbm:s6], s20  }
0xa4: {  	_ =	swait.ge [sflag:s22], s20  }
0xa5: {  	s5 =	ssub.s32 $0x0, s20;
	[sflag:s22] =	ssyncset.done $0x0  }
0xa6: {  	[sflag:s22] =	ssyncadd.s32 s5;
	_ =	sdelay $0x1  }
0xa7: {  	s23 =	simm.s32 $0x1B8B  }
0xa8: {  	_ =	swait.ge [sflag:s23], $0x1  }
0xa9: {  	[sflag:s23] =	ssyncset.done $0x0  }
0xaa: {  	s25 =	simm.s32 $0x1B8E;
	s24 =	sld [smem:$0x3FFE];
	[sflag:s23] =	ssyncadd.s32 $0xFFFFFFFF  }
0xab: {  	s26 =	simm.s32 $execute0_lowered;
	[smem:$0x3FD2] =	sst s25  }
0xac: {  	s6 =	sshll.u32 s26, $0x1;
	_ =	strace $0x80000046;
	[dreg:$0x1] =	wrdreg $0xFFFFFFFF  }
0xad: {  	s28 =	simm.s32 $_size_execute0_lowered;
	s4 =	sadd.s32 s4, s6;
	[dreg:$0x0] =	wrdreg $0x0  }
0xae: {  	s6 =	sshll.u32 s28, $0x1;
	[dreg:$0x2] =	wrdreg s4  }
0xaf: {  	[dreg:$0x3] =	wrdreg s6  }
0xb0: {  	[dreg:$0x4] =	wrdreg $0xC0  }
0xb1: {  	_ =	task [dreg:s8], $0x5FFFF  }
0xb2: {  	[dreg:$0x1] =	wrdreg $0xFFFFFFFF  }
0xb3: {  	[dreg:$0x0] =	wrdreg $0x60  }
0xb4: {  	[dreg:$0x2] =	wrdreg s17  }
0xb5: {  	[dreg:$0x3] =	wrdreg s24  }
0xb6: {  	[dreg:$0x4] =	wrdreg s16  }
0xb7: {  	[dreg:$0x5] =	wrdreg $0x9  }
0xb8: {  	_ =	task.clear_ibuf [dreg:s8], $0x6FFFF;
	_ =	strace $0x90000046  }
0xb9: {  	s29 =	simm.s32 $0x9;
	_ =	strace $0x80000048  }
0xba: {  	_ =	swait.ge [sflag:s29], $0x1  }
0xbb: {  	[sflag:s29] =	ssyncadd.s32 $0xFFFFFFFF  }
0xbc: {  	_ =	strace $0x90000048  }
0xbd: {  	_ =	sfence  }
0xbe: {  	s30 =	sld [smem:$0x0];
	_ =	sdelay $0x2  }
0xbf: {  	s31 =	sshll.u32 s1, $0xD;
	s1 =	sshrl.u32 s1, $0x2  }
0xc0: {  	s3 =	sand.u32 $0x4000, s31;
	s1 =	sadd.s32 s1, s30  }
0xc1: {  	s0 =	sor.u32 s3, s0;
	s1 =	sshll.u32 s1, $0x11  }
0xc2: {  	s0 =	sor.u32 s1, s0  }
0xc3: {  	s0 =	sadd.s32 $0x8F2B, s0  }
0xc4: {  	[sflag:s0] =	ssyncadd.remote.s32 $0x1  }
0xc5: {  	_ =	sfence.sel $0xFFFF  }
0xc6: {  	[dreg:$0x0] =	wrdreg $0xFFFFFFFF;
	(pc) =	sbr.abs _section_cstart, $3  }
0xc7: {  	[dreg:$0x1] =	wrdreg $0xFFFFFFFF  }
0xc8: {  	_ =	task.clear_ibuf [dreg:s8], $0x2FFFF;
	_ =	strace $0x9FFFFFFF  }
0xc9: {  	(tm) =	ssettm $0x7FFFFFFF  }
tec
execute0_lowered:
.L_overlay_start_1:
0x0: {  	(tag) =	ssettag $0x1  }
0x1: {  	s3 =	rddreg [dreg:$0x0]  }
0x2: {  	s1 =	srdreg.scid;
	s0 =	stileid.u32  }
0x3: {  	s4 =	rddreg [dreg:$0x1];
	s5 =	sand.u32 $0x1, s1;
	s30 =	sshll.u32 s0, $0x1  }
0x4: {  	s9 =	rddreg [dreg:$0x2];
	s6 =	sor.u32 s5, s30  }
0x5: {  	s2 =	simm.s32 $0x0;
	s1 =	rddreg [dreg:$0x3];
	s10 =	smul.u32 $0x14, s6  }
0x6: {  	[smem:$0x7FF] =	sst s2  }
0x7: {  	_ =	strace $0x80000047;
	s6 =	sadd.s32 s3, s10;
	s3 =	simm.s32 $0x1  }
0x8: {  	[tilespmem:s2], [sflag:$0x1] =	stream.linear.gather [hbm4b:s6+s2], $0xA0, $0x38;
	[tilespmem:$0x1E0] =	vst v63  }
0x9: {  	s31 =	ssub.s32 $0x2, s5;
	_ =	swait.ge [sflag:s3], $0xA0  }
0xa: {  	s8 =	simm.s32 $0xA0;
	s5 =	sshrl.u32 s31, $0x1;
	[sflag:s3] =	ssyncset.done $0x0  }
0xb: {  	s7 =	sadd.s32 s4, s10;
	s4 =	ssub.s32 s31, s5;
	[sflag:s3] =	ssyncadd.s32 $0xFFFFFF60  }
0xc: {  	[tilespmem:s8], [sflag:$0x1] =	stream.linear.gather [hbm4b:s7+s2], $0xA0, $0x38;
	[tilespmem:$0x1E0] =	vst v63  }
0xd: {  	s11 =	smax.u32 s4, $0x1;
	_ =	swait.ge [sflag:s3], $0xA0  }
0xe: {  	p0 =	sne.s32 s11, $0x1;
	[sflag:s3] =	ssyncset.done $0x0  }
.Ltmp0:
0xf: {  	[sflag:s3] =	ssyncadd.s32 $0xFFFFFF60;
	(pc) =	sbr.rel @!p0 .LBB2_2-.Ltmp0, $4  }
0x10: {  	v1 =	vld [tilespmem:$0x130]  }
0x11: {  	v4 =	vld [tilespmem:$0xE0]  }
0x12: {  	v2 =	vld [tilespmem:$0xF0]  }
0x13: {  	v0 =	vimm.s32 $0x0;
	s5 =	simm.s32 $0x140;
	s4 =	sadd.s32 s9, s10;
	s9 =	sadd.s32 $0xFFFFFFFF, s11;
	v3 =	vld [tilespmem:$0xD0]  }
.LBB2_1:
0x14: {  	p0 =	sne.s32 s9, $0x1;
	s9 =	sadd.s32 $0xFFFFFFFF, s9;
	v5 =	vld [tilespmem:$0x100]  }
0x15: {  	v6 =	vld [tilespmem:$0xA0]  }
0x16: {  	v1 =	vsub.f32 $0.0e+00, v1;
	v7 =	vld [tilespmem:$0xB0];
	v4 =	vsub.f32 $0.0e+00, v4  }
0x17: {  	v8 =	vld [tilespmem:$0xC0];
	v2 =	vsub.f32 $0.0e+00, v2  }
0x18: {  	v1 =	vmul.f32 $1.442695020e+00, v1;
	v3 =	vsub.f32 $0.0e+00, v3;
	v4 =	vmul.f32 $1.442695020e+00, v4;
	v9 =	vld [tilespmem:$0x120]  }
0x19: {  	v2 =	vmul.f32 $1.442695020e+00, v2;
	v5 =	vsub.f32 $0.0e+00, v5;
	v10 =	vld [tilespmem:$0x110]  }
0x1a: {  	v6 =	vsub.f32 $0.0e+00, v6;
	v3 =	vmul.f32 $1.442695020e+00, v3;
	v11 =	vld [tilespmem:$0x90];
	(erf) = vpow2.f32 v4  }
0x1b: {  	v4 =	vsub.f32 $0.0e+00, v7;
	v7 =	vld [tilespmem:$0x30];
	v5 =	vmul.f32 $1.442695020e+00, v5;
	(erf) = vpow2.f32 v1  }
0x1c: {  	v1 =	vmul.f32 $1.442695020e+00, v6;
	v6 =	vsub.f32 $0.0e+00, v8;
	v8 =	vld [tilespmem:$0x40];
	(erf) = vpow2.f32 v2  }
0x1d: {  	v2 =	vld [tilespmem:$0x0];
	v4 =	vmul.f32 $1.442695020e+00, v4;
	v9 =	vsub.f32 $0.0e+00, v9;
	(erf) = vpow2.f32 v3  }
0x1e: {  	v3 =	vmul.f32 $1.442695020e+00, v6;
	v6 =	vld [tilespmem:$0x60];
	v10 =	vsub.f32 $0.0e+00, v10;
	(erf) = vpow2.f32 v1  }
0x1f: {  	v1 =	vld [tilespmem:$0x10];
	v9 =	vmul.f32 $1.442695020e+00, v9;
	(erf) = vpow2.f32 v5  }
0x20: {  	v5 =	vmul.f32 $1.442695020e+00, v10;
	v10 =	vld [tilespmem:$0x80];
	(erf) = vpow2.f32 v4  }
0x21: {  	v4 =	vld [tilespmem:$0x70];
	(erf) = vpow2.f32 v9  }
0x22: {  	v9 =	vld [tilespmem:$0x20];
	(erf) = vpow2.f32 v5  }
0x23: {  	(erf) = vpow2.f32 v3;
	v3 =	vpop (erf)  }
0x24: {  	v3 =	vadd.f32 $1.000000000e+00, v3;
	v5 =	vpop (erf)  }
0x25: {  	v5 =	vadd.f32 $1.000000000e+00, v5;
	v12 =	vpop (erf)  }
0x26: {  	v14 =	vadd.f32 $1.000000000e+00, v12;
	v13 =	vpop (erf);
	(erf) = vrcp.f32 v3  }
0x27: {  	v3 =	vadd.f32 $1.000000000e+00, v13;
	v13 =	vpop (erf);
	(erf) = vrcp.f32 v5  }
0x28: {  	v15 =	vadd.f32 $1.000000000e+00, v13;
	(erf) = vrcp.f32 v14;
	v12 =	vpop (erf)  }
0x29: {  	v14 =	vadd.f32 $1.000000000e+00, v12;
	v13 =	vpop (erf);
	(erf) = vrcp.f32 v3  }
0x2a: {  	v13 =	vadd.f32 $1.000000000e+00, v13;
	(erf) = vrcp.f32 v15;
	v5 =	vpop (erf)  }
0x2b: {  	vm0 =	vgt.f32 v9, $6.999999880e-01;
	v9 =	vld [tilespmem:$0x50];
	v5 =	vadd.f32 $1.000000000e+00, v5;
	(erf) = vrcp.f32 v14;
	v12 =	vpop (erf)  }
0x2c: {  	vm1 =	vgt.f32 v4, $6.999999880e-01;
	v12 =	vadd.f32 $1.000000000e+00, v12;
	(erf) = vrcp.f32 v13;
	v3 =	vpop (erf)  }
0x2d: {  	vm2 =	vgt.f32 v10, $6.999999880e-01;
	v3 =	vadd.f32 $1.000000000e+00, v3;
	(erf) = vrcp.f32 v5  }
0x2e: {  	vm4 =	vgt.f32 v6, $6.999999880e-01;
	vm3 =	vgt.f32 v1, $6.999999880e-01;
	(erf) = vrcp.f32 v12  }
0x2f: {  	vm6 =	vgt.f32 v8, $6.999999880e-01;
	vm5 =	vgt.f32 v2, $6.999999880e-01;
	(erf) = vrcp.f32 v3;
	v1 =	vpop (erf)  }
0x30: {  	vm7 =	vgt.f32 v7, $6.999999880e-01;
	vm8 =	vgt.f32 v1, $6.999999880e-01;
	vm9 =	vgt.f32 v9, $6.999999880e-01;
	v1 =	vpop (erf)  }
0x31: {  	vm10 =	vgt.f32 v11, $6.999999880e-01;
	vm6 =	vmand vm6, vm8;
	vm8 =	vgt.f32 v1, $6.999999880e-01;
	v1 =	vpop (erf)  }
0x32: {  	v3 =	vsel vm6, $0x1, v0;
	vm6 =	vgt.f32 v1, $6.999999880e-01;
	vm8 =	vmand vm10, vm8;
	v1 =	vpop (erf)  }
0x33: {  	vm10 =	vgt.f32 v1, $6.999999880e-01;
	[tilespmem:$0x180] =	vst v3;
	vm6 =	vmand vm9, vm6;
	v3 =	vsel vm8, $0x1, v0;
	v2 =	vpop (erf)  }
0x34: {  	vm8 =	vgt.f32 v2, $6.999999880e-01;
	vm7 =	vmand vm7, vm10;
	v2 =	vsel vm6, $0x1, v0;
	[tilespmem:$0x1D0] =	vst v3;
	v1 =	vpop (erf)  }
0x35: {  	vm5 =	vmand vm5, vm8;
	v3 =	vsel vm7, $0x1, v0;
	[tilespmem:$0x190] =	vst v2;
	vm6 =	vgt.f32 v1, $6.999999880e-01;
	v1 =	vpop (erf)  }
0x36: {  	v2 =	vsel vm5, $0x1, v0;
	vm5 =	vgt.f32 v1, $6.999999880e-01;
	[tilespmem:$0x170] =	vst v3;
	vm4 =	vmand vm4, vm6;
	v1 =	vpop (erf)  }
0x37: {  	[tilespmem:$0x140] =	vst v2;
	vm3 =	vmand vm3, vm5;
	v2 =	vsel vm4, $0x1, v0;
	vm4 =	vgt.f32 v1, $6.999999880e-01;
	v1 =	vpop (erf)  }
0x38: {  	v3 =	vsel vm3, $0x1, v0;
	[tilespmem:$0x1A0] =	vst v2;
	vm3 =	vgt.f32 v1, $6.999999880e-01;
	vm2 =	vmand vm2, vm4;
	v1 =	vpop (erf)  }
0x39: {  	[tilespmem:$0x150] =	vst v3;
	vm4 =	vgt.f32 v1, $6.999999880e-01;
	vm1 =	vmand vm1, vm3;
	v1 =	vsel vm2, $0x1, v0  }
0x3a: {  	vm0 =	vmand vm0, vm4;
	v2 =	vsel vm1, $0x1, v0;
	[tilespmem:$0x1C0] =	vst v1  }
0x3b: {  	v1 =	vsel vm0, $0x1, v0;
	[tilespmem:$0x1B0] =	vst v2  }
0x3c: {  	[tilespmem:$0x160] =	vst v1  }
0x3d: {  	[hbm4b:s4+s2] =	stream.linear.scatter [tilespmem:s5], [sflag:$0x1], $0xA0, $0x38;
	[tilespmem:$0x1E0] =	vst v63  }
0x3e: {  	_ =	swait.ge [sflag:s3], $0xA0  }
0x3f: {  	[sflag:s3] =	ssyncset.done $0x0  }
0x40: {  	[sflag:s3] =	ssyncadd.s32 $0xFFFFFF60  }
0x41: {  	[tilespmem:s2], [sflag:$0x1] =	stream.linear.gather [hbm4b:s6+s2], $0xA0, $0x38;
	[tilespmem:$0x1E0] =	vst v63  }
0x42: {  	_ =	swait.ge [sflag:s3], $0xA0  }
0x43: {  	[sflag:s3] =	ssyncset.done $0x0  }
0x44: {  	[sflag:s3] =	ssyncadd.s32 $0xFFFFFF60  }
0x45: {  	[tilespmem:s8], [sflag:$0x1] =	stream.linear.gather [hbm4b:s7+s2], $0xA0, $0x38;
	[tilespmem:$0x1E0] =	vst v63  }
0x46: {  	_ =	swait.ge [sflag:s3], $0xA0  }
0x47: {  	[sflag:s3] =	ssyncset.done $0x0  }
.Ltmp1:
0x48: {  	[sflag:s3] =	ssyncadd.s32 $0xFFFFFF60;
	(pc) =	sbr.rel @p0 .LBB2_1-.Ltmp1, $4  }
0x49: {  	v1 =	vld [tilespmem:$0x130]  }
0x4a: {  	v4 =	vld [tilespmem:$0xE0]  }
0x4b: {  	v2 =	vld [tilespmem:$0xF0]  }
0x4c: {  	v3 =	vld [tilespmem:$0xD0]  }
.LBB2_2:
0x4d: {  	_ = 	snop  }
0x4e: {  	v5 =	vld [tilespmem:$0xA0]  }
0x4f: {  	v6 =	vld [tilespmem:$0x100];
	v4 =	vsub.f32 $0.0e+00, v4  }
0x50: {  	v7 =	vld [tilespmem:$0xB0];
	v1 =	vsub.f32 $0.0e+00, v1  }
0x51: {  	v8 =	vld [tilespmem:$0x120];
	v2 =	vsub.f32 $0.0e+00, v2;
	v4 =	vmul.f32 $1.442695020e+00, v4  }
0x52: {  	v9 =	vld [tilespmem:$0x110];
	v1 =	vmul.f32 $1.442695020e+00, v1;
	v3 =	vsub.f32 $0.0e+00, v3  }
0x53: {  	v10 =	vld [tilespmem:$0xC0];
	v2 =	vmul.f32 $1.442695020e+00, v2;
	v5 =	vsub.f32 $0.0e+00, v5;
	(erf) = vpow2.f32 v4  }
0x54: {  	v18 =	vsub.f32 $0.0e+00, v6;
	v3 =	vmul.f32 $1.442695020e+00, v3;
	(erf) = vpow2.f32 v1  }
0x55: {  	v19 =	vsub.f32 $0.0e+00, v7;
	v5 =	vmul.f32 $1.442695020e+00, v5;
	(erf) = vpow2.f32 v2  }
0x56: {  	v21 =	vsub.f32 $0.0e+00, v8;
	v20 =	vmul.f32 $1.442695020e+00, v18;
	(erf) = vpow2.f32 v3  }
0x57: {  	v22 =	vsub.f32 $0.0e+00, v9;
	v1 =	vmul.f32 $1.442695020e+00, v19;
	(erf) = vpow2.f32 v5  }
0x58: {  	v23 =	vsub.f32 $0.0e+00, v10;
	v4 =	vmul.f32 $1.442695020e+00, v21;
	(erf) = vpow2.f32 v20  }
0x59: {  	v24 =	vmul.f32 $1.442695020e+00, v22;
	(erf) = vpow2.f32 v1  }
0x5a: {  	v25 =	vmul.f32 $1.442695020e+00, v23;
	(erf) = vpow2.f32 v4  }
0x5b: {  	(erf) = vpow2.f32 v24  }
0x5c: {  	v26 =	vld [tilespmem:$0x30];
	(erf) = vpow2.f32 v25;
	v27 =	vpop (erf)  }
0x5d: {  	v28 =	vld [tilespmem:$0x40];
	v1 =	vadd.f32 $1.000000000e+00, v27;
	v29 =	vpop (erf)  }
0x5e: {  	v30 =	vld [tilespmem:$0x60];
	v4 =	vadd.f32 $1.000000000e+00, v29;
	v31 =	vpop (erf)  }
0x5f: {  	v32 =	vld [tilespmem:$0x20];
	v6 =	vadd.f32 $1.000000000e+00, v31;
	v33 =	vpop (erf);
	(erf) = vrcp.f32 v1  }
0x60: {  	v34 =	vld [tilespmem:$0x70];
	v8 =	vadd.f32 $1.000000000e+00, v33;
	v35 =	vpop (erf);
	(erf) = vrcp.f32 v4  }
0x61: {  	v36 =	vld [tilespmem:$0x80];
	v9 =	vadd.f32 $1.000000000e+00, v35;
	(erf) = vrcp.f32 v6;
	v37 =	vpop (erf)  }
0x62: {  	v38 =	vld [tilespmem:$0x10];
	v6 =	vadd.f32 $1.000000000e+00, v37;
	v11 =	vpop (erf);
	(erf) = vrcp.f32 v8  }
0x63: {  	v39 =	vld [tilespmem:$0x0];
	v11 =	vadd.f32 $1.000000000e+00, v11;
	(erf) = vrcp.f32 v9;
	v40 =	vpop (erf)  }
0x64: {  	v41 =	vld [tilespmem:$0x50];
	vm0 =	vgt.f32 v32, $6.999999880e-01;
	v9 =	vadd.f32 $1.000000000e+00, v40;
	(erf) = vrcp.f32 v6;
	v42 =	vpop (erf)  }
0x65: {  	v12 =	vld [tilespmem:$0x90];
	vm1 =	vgt.f32 v34, $6.999999880e-01;
	v6 =	vadd.f32 $1.000000000e+00, v42;
	(erf) = vrcp.f32 v11;
	v43 =	vpop (erf)  }
0x66: {  	vm2 =	vgt.f32 v36, $6.999999880e-01;
	v1 =	vadd.f32 $1.000000000e+00, v43;
	(erf) = vrcp.f32 v9  }
0x67: {  	vm3 =	vgt.f32 v38, $6.999999880e-01;
	vm4 =	vgt.f32 v30, $6.999999880e-01;
	(erf) = vrcp.f32 v6  }
0x68: {  	vm5 =	vgt.f32 v39, $6.999999880e-01;
	vm6 =	vgt.f32 v28, $6.999999880e-01;
	(erf) = vrcp.f32 v1;
	v44 =	vpop (erf)  }
0x69: {  	vm7 =	vgt.f32 v26, $6.999999880e-01;
	vm9 =	vgt.f32 v41, $6.999999880e-01;
	vm8 =	vgt.f32 v44, $6.999999880e-01;
	v45 =	vpop (erf)  }
0x6a: {  	vm10 =	vgt.f32 v12, $6.999999880e-01;
	vm6 =	vmand vm6, vm8;
	vm12 =	vgt.f32 v45, $6.999999880e-01;
	v46 =	vpop (erf)  }
0x6b: {  	v47 =	vsel vm6, $0x1, v0;
	vm13 =	vgt.f32 v46, $6.999999880e-01;
	vm8 =	vmand vm10, vm12;
	v48 =	vpop (erf)  }
0x6c: {  	vm14 =	vgt.f32 v48, $6.999999880e-01;
	[tilespmem:$0x180] =	vst v47;
	vm6 =	vmand vm9, vm13;
	v49 =	vsel vm8, $0x1, v0;
	v50 =	vpop (erf)  }
0x6d: {  	vm15 =	vgt.f32 v50, $6.999999880e-01;
	vm7 =	vmand vm7, vm14;
	v51 =	vsel vm6, $0x1, v0;
	[tilespmem:$0x1D0] =	vst v49;
	v52 =	vpop (erf)  }
0x6e: {  	vm5 =	vmand vm5, vm15;
	v53 =	vsel vm7, $0x1, v0;
	[tilespmem:$0x190] =	vst v51;
	vm11 =	vgt.f32 v52, $6.999999880e-01;
	v54 =	vpop (erf)  }
0x6f: {  	v55 =	vsel vm5, $0x1, v0;
	vm12 =	vgt.f32 v54, $6.999999880e-01;
	[tilespmem:$0x170] =	vst v53;
	vm4 =	vmand vm4, vm11;
	v56 =	vpop (erf)  }
0x70: {  	[tilespmem:$0x140] =	vst v55;
	vm3 =	vmand vm3, vm12;
	v57 =	vsel vm4, $0x1, v0;
	vm13 =	vgt.f32 v56, $6.999999880e-01;
	v58 =	vpop (erf)  }
0x71: {  	v59 =	vsel vm3, $0x1, v0;
	[tilespmem:$0x1A0] =	vst v57;
	vm14 =	vgt.f32 v58, $6.999999880e-01;
	vm2 =	vmand vm2, vm13;
	v60 =	vpop (erf)  }
0x72: {  	[tilespmem:$0x150] =	vst v59;
	vm15 =	vgt.f32 v60, $6.999999880e-01;
	vm1 =	vmand vm1, vm14;
	v61 =	vsel vm2, $0x1, v0  }
0x73: {  	vm0 =	vmand vm0, vm15;
	v62 =	vsel vm1, $0x1, v0;
	[tilespmem:$0x1C0] =	vst v61  }
0x74: {  	v63 =	vsel vm0, $0x1, v0;
	[tilespmem:$0x1B0] =	vst v62  }
0x75: {  	[tilespmem:$0x160] =	vst v63  }
0x76: {  	[hbm4b:s4+s2] =	stream.linear.scatter [tilespmem:s5], [sflag:$0x1], $0xA0, $0x38;
	[tilespmem:$0x1E0] =	vst v63  }
0x77: {  	_ =	swait.ge [sflag:s3], $0xA0  }
0x78: {  	[sflag:s3] =	ssyncset.done $0x0  }
0x79: {  	[sflag:s3] =	ssyncadd.s32 $0xFFFFFF60  }
0x7a: {  	_ =	sfence.sel $0x180000  }
0x7b: {  	[bflag:$0x0] =	sbarrier.arrive $0xFFFF  }
0x7c: {  	p0 =	sne.s32 s0, $0x0;
	_ =	strace $0x90000047  }
0x7d: {  	s0 =	sadd.s32 @!p0 $0x100000, s1;
	[bflag:$0x2] =	sbarrier.arrive $0xFFFF  }
0x7e: {  	[sflag:s0] =	ssyncadd.tile.s32 @!p0 $0x1;
	_ =	shalt  }
.Lfunc_end2:
_tile_overlayer_lowered:
.L_overlay_start_2:
0x7f: {  	(tag) =	ssettag $0x2  }
0x80: {  	s0 =	rddreg [dreg:$0x0];
	s2 =	stileid.u32  }
0x81: {  	s1 =	rddreg [dreg:$0x1];
	p0 =	sne.s32 s2, $0x0  }
0x82: {  	s3 =	rddreg [dreg:$0x2];
	[bflag:$0x3] =	sbarrier.arrive $0xFFFF;
	s2 =	simm.s32 @!p0 $0x1C01  }
0x83: {  	[timem:s3], [sflag:s2] =	dma.local @!p0 [hbm:s0], s1  }
0x84: {  	s0 =	simm.s32 @!p0 $0x1  }
0x85: {  	_ =	swait.ge @!p0 [sflag:s0], s1  }
0x86: {  	s1 =	ssub.s32 @!p0 $0x0, s1;
	[sflag:s0] =	ssyncset.done @!p0 $0x0  }
0x87: {  	[sflag:s0] =	ssyncadd.s32 @!p0 s1  }
0x88: {  	[bflag:$0x3] =	sbarrier.arrive $0xFFFF  }
0x89: {  	_ =	shalt  }

</sc_bundles>
